<compile_context>
chip_gen: v7x
topology: tpu7x:2x2x1
jax: 0.10.2.dev20260603
libtpu: 0.0.44.dev20260713+nightly
codegen_flags: <defaults>
</compile_context>

<pallas_src>
import functools

import jax
import jax.numpy as jnp
from jax import lax
from jax.experimental import pallas as pl
from jax.experimental.pallas import tpu as pltpu
from jax.experimental.pallas import tpu_sc as plsc

_LANE = 128


def kernel(seq_len, relative_embeddings):
    del seq_len
    two_max_len, embed = relative_embeddings.shape
    s = two_max_len // 2
    g_cols = two_max_len - _LANE

    info = plsc.get_sparse_core_info()
    num_workers = info.num_cores * info.num_subcores
    classes_per_w = _LANE // num_workers
    rows_per_class = s // _LANE

    table_t = relative_embeddings.T

    def build_shifted(tab_ref, out_ref):
        for c in range(_LANE):
            out_ref[c] = tab_ref[:, _LANE - c:two_max_len - c]

    shifted = pl.pallas_call(
        build_shifted,
        out_shape=jax.ShapeDtypeStruct((_LANE, embed, g_cols), jnp.float32),
    )(table_t)

    mesh = plsc.VectorSubcoreMesh(core_axis_name="c", subcore_axis_name="s")

    @functools.partial(
        pl.kernel,
        mesh=mesh,
        out_type=jax.ShapeDtypeStruct((s, embed, s), jnp.float32),
        scratch_types=[
            pltpu.VMEM((1, embed, g_cols), jnp.float32),
            pltpu.VMEM((1, embed, g_cols), jnp.float32),
            pltpu.SemaphoreType.DMA,
            pltpu.SemaphoreType.DMA,
            pltpu.SemaphoreType.DMA,
        ],
    )
    def toeplitz_planes(
        shifted_hbm, out_hbm, table_a, table_b, stage_sem, sem_a, sem_b
    ):
        wid = lax.axis_index("s") * info.num_cores + lax.axis_index("c")
        bufs = (table_a, table_b)
        sems = (sem_a, sem_b)

        def stage(j):
            pltpu.async_copy(
                shifted_hbm.at[pl.ds(classes_per_w * wid + j, 1)],
                bufs[j % 2],
                stage_sem,
            )

        def stage_wait(j):
            pltpu.make_async_copy(
                shifted_hbm.at[pl.ds(0, 1)], bufs[j % 2], stage_sem
            ).wait()

        def planes(j, fire):
            c = classes_per_w * wid + j
            buf = bufs[j % 2]
            sem = sems[j % 2]

            def body(k, carry):
                i = c + _LANE * k
                a = pl.multiple_of(s - _LANE - _LANE * k, _LANE)
                copy = pltpu.make_async_copy(
                    buf.at[:, :, pl.ds(a, s)], out_hbm.at[pl.ds(i, 1)], sem
                )
                if fire:
                    copy.start()
                else:
                    copy.wait()
                return carry

            lax.fori_loop(0, rows_per_class, body, 0)

        stage(0)
        for j in range(classes_per_w):
            stage_wait(j)
            planes(j, fire=True)
            if j >= 1:
                planes(j - 1, fire=False)
            if j + 1 < classes_per_w:
                stage(j + 1)
        planes(classes_per_w - 1, fire=False)

    return toeplitz_planes(shifted).transpose(0, 2, 1)

# --- scband reference (transcript-rebuilt; emitter-appended) ---
"""Pipeline reference for scband-relative-positional-encoding-64433099375049 (READ-ONLY COPY).

The authoritative reference and input builder live on the scoring server;
editing this copy changes nothing except your own understanding.
"""

import jax, jax.numpy as jnp
import numpy as np

MAX_LEN = 2048
EMBED_SIZE = 16

def setup_inputs(seed: int = 0) -> dict:
    key = jax.random.key(seed)
    relative_embeddings = jax.random.normal(key, (2 * MAX_LEN, EMBED_SIZE), dtype=jnp.float32)
    return {"seq_len": 2048, "relative_embeddings": relative_embeddings}

def reference(seq_len, relative_embeddings):
    # indices[i, j] = j - i, clamped to [-max_len, max_len], shifted by +max_len
    max_len = relative_embeddings.shape[0] // 2
    pos = jnp.arange(max_len) + 0 * jnp.asarray(seq_len, dtype=jnp.int32)
    indices = pos[None, :] - pos[:, None]
    indices = jnp.clip(indices, -max_len, max_len) + max_len
    # embedding lookup: gather rows of the table -> [seq_len, seq_len, embed_size]
    return jnp.take(relative_embeddings, indices, axis=0)

if __name__ == "__main__":
    import jax
    _d = setup_inputs()
    print(jax.jit(kernel)(*tuple(_d.values())))

</pallas_src>

<mosaic_0001>
#map = affine_map<(d0, d1) -> (0, 0, 0)>
module attributes {stable_mosaic.version = 14 : i64} {
  func.func @toeplitz_planes(%arg0: i32, %arg1: i32, %arg2: memref<128x16x3968xf32, #tpu.memory_space<hbm>>, %arg3: memref<2048x16x2048xf32, #tpu.memory_space<hbm>>, %arg4: memref<1x16x3968xf32, #tpu.memory_space<vmem>>, %arg5: memref<1x16x3968xf32, #tpu.memory_space<vmem>>, %arg6: memref<!tpu.dma_semaphore, #tpu.memory_space<semaphore_mem>>, %arg7: memref<!tpu.dma_semaphore, #tpu.memory_space<semaphore_mem>>, %arg8: memref<!tpu.dma_semaphore, #tpu.memory_space<semaphore_mem>>) attributes {dimension_semantics = [#tpu.dimension_semantics<core_parallel>, #tpu.dimension_semantics<subcore_parallel>], iteration_bounds = array<i64: 2, 16>, scalar_prefetch = 0 : i64, scratch_operands = 5 : i64, tpu.core_type = #tpu.core_type<sc_vector_subcore>, window_params = [{transform_indices = #map}, {transform_indices = #map}]} {
    %mul3A = arith.constant 2 : i32
    %mul3A_0 = arith.muli %arg1, %mul3A : i32
    %add3A = arith.addi %mul3A_0, %arg0 : i32
    %mul3A_1 = arith.constant 4 : i32
    %mul3A_2 = arith.muli %mul3A_1, %add3A : i32
    %add3A_3 = arith.constant 0 : i32
    %add3A_4 = arith.addi %mul3A_2, %add3A_3 : i32
    %dma_start3A = arith.constant 0 : i32
    %dma_start3A_5 = arith.constant 0 : i32
    %dma_start3A_6 = tpu.memref_slice %arg2[%add3A_4, %dma_start3A, %dma_start3A_5] : memref<128x16x3968xf32, #tpu.memory_space<hbm>> -> memref<1x16x3968xf32, #tpu.memory_space<hbm>>
    %dma_start3A_7 = arith.constant 0 : i32
    %dma_start3A_8 = arith.constant 0 : i32
    %dma_start3A_9 = tpu.memref_slice %arg2[%add3A_4, %dma_start3A_7, %dma_start3A_8] : memref<128x16x3968xf32, #tpu.memory_space<hbm>> -> memref<1x16x3968xf32, #tpu.memory_space<hbm>>
    tpu.enqueue_dma source(%dma_start3A_9 : memref<1x16x3968xf32, #tpu.memory_space<hbm>>) target(%arg4 : memref<1x16x3968xf32, #tpu.memory_space<vmem>>) target_semaphore(%arg6 : memref<!tpu.dma_semaphore, #tpu.memory_space<semaphore_mem>>)
    %dma_wait3A = arith.constant 0 : i32
    %dma_wait3A_10 = arith.constant 0 : i32
    %dma_wait3A_11 = arith.constant 0 : i32
    %dma_wait3A_12 = tpu.memref_slice %arg2[%dma_wait3A, %dma_wait3A_10, %dma_wait3A_11] : memref<128x16x3968xf32, #tpu.memory_space<hbm>> -> memref<1x16x3968xf32, #tpu.memory_space<hbm>>
    %dma_wait3A_13 = arith.constant 0 : i32
    %dma_wait3A_14 = arith.constant 0 : i32
    %dma_wait3A_15 = arith.constant 0 : i32
    %dma_wait3A_16 = tpu.memref_slice %arg2[%dma_wait3A_13, %dma_wait3A_14, %dma_wait3A_15] : memref<128x16x3968xf32, #tpu.memory_space<hbm>> -> memref<1x16x3968xf32, #tpu.memory_space<hbm>>
    tpu.wait_dma2 semaphore(%arg6 : memref<!tpu.dma_semaphore, #tpu.memory_space<semaphore_mem>>) src(%dma_wait3A_16 : memref<1x16x3968xf32, #tpu.memory_space<hbm>>) dst(%arg4 : memref<1x16x3968xf32, #tpu.memory_space<vmem>>)
    %mul3A_17 = arith.constant 4 : i32
    %mul3A_18 = arith.muli %mul3A_17, %add3A : i32
    %add3A_19 = arith.constant 0 : i32
    %add3A_20 = arith.addi %mul3A_18, %add3A_19 : i32
    %scan3A = arith.constant 0 : i32
    %scan3A_21 = arith.constant 0 : i32
    %scan3A_22 = arith.constant 16 : i32
    %scan3A_23 = arith.addi %scan3A_21, %scan3A_22 : i32
    %scan3A_24 = arith.constant 1 : i32
    scf.for %scan3A_150 = %scan3A_21 to %scan3A_23 step %scan3A_24  : i32 {
      %mul3A_151 = arith.constant 128 : i32
      %mul3A_152 = arith.muli %mul3A_151, %scan3A_150 : i32
      %add3A_153 = arith.addi %add3A_20, %mul3A_152 : i32
      %mul3A_154 = arith.constant 128 : i32
      %mul3A_155 = arith.muli %mul3A_154, %scan3A_150 : i32
      %sub3A = arith.constant 1920 : i32
      %sub3A_156 = arith.subi %sub3A, %mul3A_155 : i32
      %multiple_of3A = tpu.assume_multiple %sub3A_156, 128 : i32
      %dma_start3A_157 = arith.constant 0 : i32
      %dma_start3A_158 = arith.constant 0 : i32
      %dma_start3A_159 = tpu.memref_slice %arg4[%dma_start3A_157, %dma_start3A_158, %multiple_of3A] : memref<1x16x3968xf32, #tpu.memory_space<vmem>> -> memref<1x16x2048xf32, #tpu.memory_space<vmem>>
      %dma_start3A_160 = arith.constant 0 : i32
      %dma_start3A_161 = arith.constant 0 : i32
      %dma_start3A_162 = tpu.memref_slice %arg3[%add3A_153, %dma_start3A_160, %dma_start3A_161] : memref<2048x16x2048xf32, #tpu.memory_space<hbm>> -> memref<1x16x2048xf32, #tpu.memory_space<hbm>>
      %dma_start3A_163 = arith.constant 0 : i32
      %dma_start3A_164 = arith.constant 0 : i32
      %dma_start3A_165 = tpu.memref_slice %arg3[%add3A_153, %dma_start3A_163, %dma_start3A_164] : memref<2048x16x2048xf32, #tpu.memory_space<hbm>> -> memref<1x16x2048xf32, #tpu.memory_space<hbm>>
      %dma_start3A_166 = arith.constant 0 : i32
      %dma_start3A_167 = arith.constant 0 : i32
      %dma_start3A_168 = tpu.memref_slice %arg4[%dma_start3A_166, %dma_start3A_167, %multiple_of3A] : memref<1x16x3968xf32, #tpu.memory_space<vmem>> -> memref<1x16x2048xf32, #tpu.memory_space<vmem>>
      tpu.enqueue_dma source(%dma_start3A_168 : memref<1x16x2048xf32, #tpu.memory_space<vmem>>) target(%dma_start3A_165 : memref<1x16x2048xf32, #tpu.memory_space<hbm>>) target_semaphore(%arg7 : memref<!tpu.dma_semaphore, #tpu.memory_space<semaphore_mem>>)
    }
    %scan3A_25 = arith.constant 16 : i32
    %mul3A_26 = arith.constant 4 : i32
    %mul3A_27 = arith.muli %mul3A_26, %add3A : i32
    %add3A_28 = arith.constant 1 : i32
    %add3A_29 = arith.addi %mul3A_27, %add3A_28 : i32
    %dma_start3A_30 = arith.constant 0 : i32
    %dma_start3A_31 = arith.constant 0 : i32
    %dma_start3A_32 = tpu.memref_slice %arg2[%add3A_29, %dma_start3A_30, %dma_start3A_31] : memref<128x16x3968xf32, #tpu.memory_space<hbm>> -> memref<1x16x3968xf32, #tpu.memory_space<hbm>>
    %dma_start3A_33 = arith.constant 0 : i32
    %dma_start3A_34 = arith.constant 0 : i32
    %dma_start3A_35 = tpu.memref_slice %arg2[%add3A_29, %dma_start3A_33, %dma_start3A_34] : memref<128x16x3968xf32, #tpu.memory_space<hbm>> -> memref<1x16x3968xf32, #tpu.memory_space<hbm>>
    tpu.enqueue_dma source(%dma_start3A_35 : memref<1x16x3968xf32, #tpu.memory_space<hbm>>) target(%arg5 : memref<1x16x3968xf32, #tpu.memory_space<vmem>>) target_semaphore(%arg6 : memref<!tpu.dma_semaphore, #tpu.memory_space<semaphore_mem>>)
    %dma_wait3A_36 = arith.constant 0 : i32
    %dma_wait3A_37 = arith.constant 0 : i32
    %dma_wait3A_38 = arith.constant 0 : i32
    %dma_wait3A_39 = tpu.memref_slice %arg2[%dma_wait3A_36, %dma_wait3A_37, %dma_wait3A_38] : memref<128x16x3968xf32, #tpu.memory_space<hbm>> -> memref<1x16x3968xf32, #tpu.memory_space<hbm>>
    %dma_wait3A_40 = arith.constant 0 : i32
    %dma_wait3A_41 = arith.constant 0 : i32
    %dma_wait3A_42 = arith.constant 0 : i32
    %dma_wait3A_43 = tpu.memref_slice %arg2[%dma_wait3A_40, %dma_wait3A_41, %dma_wait3A_42] : memref<128x16x3968xf32, #tpu.memory_space<hbm>> -> memref<1x16x3968xf32, #tpu.memory_space<hbm>>
    tpu.wait_dma2 semaphore(%arg6 : memref<!tpu.dma_semaphore, #tpu.memory_space<semaphore_mem>>) src(%dma_wait3A_43 : memref<1x16x3968xf32, #tpu.memory_space<hbm>>) dst(%arg5 : memref<1x16x3968xf32, #tpu.memory_space<vmem>>)
    %mul3A_44 = arith.constant 4 : i32
    %mul3A_45 = arith.muli %mul3A_44, %add3A : i32
    %add3A_46 = arith.constant 1 : i32
    %add3A_47 = arith.addi %mul3A_45, %add3A_46 : i32
    %scan3A_48 = arith.constant 0 : i32
    %scan3A_49 = arith.constant 0 : i32
    %scan3A_50 = arith.constant 16 : i32
    %scan3A_51 = arith.addi %scan3A_49, %scan3A_50 : i32
    %scan3A_52 = arith.constant 1 : i32
    scf.for %scan3A_150 = %scan3A_49 to %scan3A_51 step %scan3A_52  : i32 {
      %mul3A_151 = arith.constant 128 : i32
      %mul3A_152 = arith.muli %mul3A_151, %scan3A_150 : i32
      %add3A_153 = arith.addi %add3A_47, %mul3A_152 : i32
      %mul3A_154 = arith.constant 128 : i32
      %mul3A_155 = arith.muli %mul3A_154, %scan3A_150 : i32
      %sub3A = arith.constant 1920 : i32
      %sub3A_156 = arith.subi %sub3A, %mul3A_155 : i32
      %multiple_of3A = tpu.assume_multiple %sub3A_156, 128 : i32
      %dma_start3A_157 = arith.constant 0 : i32
      %dma_start3A_158 = arith.constant 0 : i32
      %dma_start3A_159 = tpu.memref_slice %arg5[%dma_start3A_157, %dma_start3A_158, %multiple_of3A] : memref<1x16x3968xf32, #tpu.memory_space<vmem>> -> memref<1x16x2048xf32, #tpu.memory_space<vmem>>
      %dma_start3A_160 = arith.constant 0 : i32
      %dma_start3A_161 = arith.constant 0 : i32
      %dma_start3A_162 = tpu.memref_slice %arg3[%add3A_153, %dma_start3A_160, %dma_start3A_161] : memref<2048x16x2048xf32, #tpu.memory_space<hbm>> -> memref<1x16x2048xf32, #tpu.memory_space<hbm>>
      %dma_start3A_163 = arith.constant 0 : i32
      %dma_start3A_164 = arith.constant 0 : i32
      %dma_start3A_165 = tpu.memref_slice %arg3[%add3A_153, %dma_start3A_163, %dma_start3A_164] : memref<2048x16x2048xf32, #tpu.memory_space<hbm>> -> memref<1x16x2048xf32, #tpu.memory_space<hbm>>
      %dma_start3A_166 = arith.constant 0 : i32
      %dma_start3A_167 = arith.constant 0 : i32
      %dma_start3A_168 = tpu.memref_slice %arg5[%dma_start3A_166, %dma_start3A_167, %multiple_of3A] : memref<1x16x3968xf32, #tpu.memory_space<vmem>> -> memref<1x16x2048xf32, #tpu.memory_space<vmem>>
      tpu.enqueue_dma source(%dma_start3A_168 : memref<1x16x2048xf32, #tpu.memory_space<vmem>>) target(%dma_start3A_165 : memref<1x16x2048xf32, #tpu.memory_space<hbm>>) target_semaphore(%arg8 : memref<!tpu.dma_semaphore, #tpu.memory_space<semaphore_mem>>)
    }
    %scan3A_53 = arith.constant 16 : i32
    %mul3A_54 = arith.constant 4 : i32
    %mul3A_55 = arith.muli %mul3A_54, %add3A : i32
    %add3A_56 = arith.constant 0 : i32
    %add3A_57 = arith.addi %mul3A_55, %add3A_56 : i32
    %scan3A_58 = arith.constant 0 : i32
    %scan3A_59 = arith.constant 0 : i32
    %scan3A_60 = arith.constant 16 : i32
    %scan3A_61 = arith.addi %scan3A_59, %scan3A_60 : i32
    %scan3A_62 = arith.constant 1 : i32
    scf.for %scan3A_150 = %scan3A_59 to %scan3A_61 step %scan3A_62  : i32 {
      %mul3A_151 = arith.constant 128 : i32
      %mul3A_152 = arith.muli %mul3A_151, %scan3A_150 : i32
      %add3A_153 = arith.addi %add3A_57, %mul3A_152 : i32
      %mul3A_154 = arith.constant 128 : i32
      %mul3A_155 = arith.muli %mul3A_154, %scan3A_150 : i32
      %sub3A = arith.constant 1920 : i32
      %sub3A_156 = arith.subi %sub3A, %mul3A_155 : i32
      %multiple_of3A = tpu.assume_multiple %sub3A_156, 128 : i32
      %dma_wait3A_157 = arith.constant 0 : i32
      %dma_wait3A_158 = arith.constant 0 : i32
      %dma_wait3A_159 = tpu.memref_slice %arg4[%dma_wait3A_157, %dma_wait3A_158, %multiple_of3A] : memref<1x16x3968xf32, #tpu.memory_space<vmem>> -> memref<1x16x2048xf32, #tpu.memory_space<vmem>>
      %dma_wait3A_160 = arith.constant 0 : i32
      %dma_wait3A_161 = arith.constant 0 : i32
      %dma_wait3A_162 = tpu.memref_slice %arg3[%add3A_153, %dma_wait3A_160, %dma_wait3A_161] : memref<2048x16x2048xf32, #tpu.memory_space<hbm>> -> memref<1x16x2048xf32, #tpu.memory_space<hbm>>
      %dma_wait3A_163 = arith.constant 0 : i32
      %dma_wait3A_164 = arith.constant 0 : i32
      %dma_wait3A_165 = tpu.memref_slice %arg3[%add3A_153, %dma_wait3A_163, %dma_wait3A_164] : memref<2048x16x2048xf32, #tpu.memory_space<hbm>> -> memref<1x16x2048xf32, #tpu.memory_space<hbm>>
      %dma_wait3A_166 = arith.constant 0 : i32
      %dma_wait3A_167 = arith.constant 0 : i32
      %dma_wait3A_168 = tpu.memref_slice %arg4[%dma_wait3A_166, %dma_wait3A_167, %multiple_of3A] : memref<1x16x3968xf32, #tpu.memory_space<vmem>> -> memref<1x16x2048xf32, #tpu.memory_space<vmem>>
      tpu.wait_dma2 semaphore(%arg7 : memref<!tpu.dma_semaphore, #tpu.memory_space<semaphore_mem>>) src(%dma_wait3A_168 : memref<1x16x2048xf32, #tpu.memory_space<vmem>>) dst(%dma_wait3A_165 : memref<1x16x2048xf32, #tpu.memory_space<hbm>>)
    }
    %scan3A_63 = arith.constant 16 : i32
    %mul3A_64 = arith.constant 4 : i32
    %mul3A_65 = arith.muli %mul3A_64, %add3A : i32
    %add3A_66 = arith.constant 2 : i32
    %add3A_67 = arith.addi %mul3A_65, %add3A_66 : i32
    %dma_start3A_68 = arith.constant 0 : i32
    %dma_start3A_69 = arith.constant 0 : i32
    %dma_start3A_70 = tpu.memref_slice %arg2[%add3A_67, %dma_start3A_68, %dma_start3A_69] : memref<128x16x3968xf32, #tpu.memory_space<hbm>> -> memref<1x16x3968xf32, #tpu.memory_space<hbm>>
    %dma_start3A_71 = arith.constant 0 : i32
    %dma_start3A_72 = arith.constant 0 : i32
    %dma_start3A_73 = tpu.memref_slice %arg2[%add3A_67, %dma_start3A_71, %dma_start3A_72] : memref<128x16x3968xf32, #tpu.memory_space<hbm>> -> memref<1x16x3968xf32, #tpu.memory_space<hbm>>
    tpu.enqueue_dma source(%dma_start3A_73 : memref<1x16x3968xf32, #tpu.memory_space<hbm>>) target(%arg4 : memref<1x16x3968xf32, #tpu.memory_space<vmem>>) target_semaphore(%arg6 : memref<!tpu.dma_semaphore, #tpu.memory_space<semaphore_mem>>)
    %dma_wait3A_74 = arith.constant 0 : i32
    %dma_wait3A_75 = arith.constant 0 : i32
    %dma_wait3A_76 = arith.constant 0 : i32
    %dma_wait3A_77 = tpu.memref_slice %arg2[%dma_wait3A_74, %dma_wait3A_75, %dma_wait3A_76] : memref<128x16x3968xf32, #tpu.memory_space<hbm>> -> memref<1x16x3968xf32, #tpu.memory_space<hbm>>
    %dma_wait3A_78 = arith.constant 0 : i32
    %dma_wait3A_79 = arith.constant 0 : i32
    %dma_wait3A_80 = arith.constant 0 : i32
    %dma_wait3A_81 = tpu.memref_slice %arg2[%dma_wait3A_78, %dma_wait3A_79, %dma_wait3A_80] : memref<128x16x3968xf32, #tpu.memory_space<hbm>> -> memref<1x16x3968xf32, #tpu.memory_space<hbm>>
    tpu.wait_dma2 semaphore(%arg6 : memref<!tpu.dma_semaphore, #tpu.memory_space<semaphore_mem>>) src(%dma_wait3A_81 : memref<1x16x3968xf32, #tpu.memory_space<hbm>>) dst(%arg4 : memref<1x16x3968xf32, #tpu.memory_space<vmem>>)
    %mul3A_82 = arith.constant 4 : i32
    %mul3A_83 = arith.muli %mul3A_82, %add3A : i32
    %add3A_84 = arith.constant 2 : i32
    %add3A_85 = arith.addi %mul3A_83, %add3A_84 : i32
    %scan3A_86 = arith.constant 0 : i32
    %scan3A_87 = arith.constant 0 : i32
    %scan3A_88 = arith.constant 16 : i32
    %scan3A_89 = arith.addi %scan3A_87, %scan3A_88 : i32
    %scan3A_90 = arith.constant 1 : i32
    scf.for %scan3A_150 = %scan3A_87 to %scan3A_89 step %scan3A_90  : i32 {
      %mul3A_151 = arith.constant 128 : i32
      %mul3A_152 = arith.muli %mul3A_151, %scan3A_150 : i32
      %add3A_153 = arith.addi %add3A_85, %mul3A_152 : i32
      %mul3A_154 = arith.constant 128 : i32
      %mul3A_155 = arith.muli %mul3A_154, %scan3A_150 : i32
      %sub3A = arith.constant 1920 : i32
      %sub3A_156 = arith.subi %sub3A, %mul3A_155 : i32
      %multiple_of3A = tpu.assume_multiple %sub3A_156, 128 : i32
      %dma_start3A_157 = arith.constant 0 : i32
      %dma_start3A_158 = arith.constant 0 : i32
      %dma_start3A_159 = tpu.memref_slice %arg4[%dma_start3A_157, %dma_start3A_158, %multiple_of3A] : memref<1x16x3968xf32, #tpu.memory_space<vmem>> -> memref<1x16x2048xf32, #tpu.memory_space<vmem>>
      %dma_start3A_160 = arith.constant 0 : i32
      %dma_start3A_161 = arith.constant 0 : i32
      %dma_start3A_162 = tpu.memref_slice %arg3[%add3A_153, %dma_start3A_160, %dma_start3A_161] : memref<2048x16x2048xf32, #tpu.memory_space<hbm>> -> memref<1x16x2048xf32, #tpu.memory_space<hbm>>
      %dma_start3A_163 = arith.constant 0 : i32
      %dma_start3A_164 = arith.constant 0 : i32
      %dma_start3A_165 = tpu.memref_slice %arg3[%add3A_153, %dma_start3A_163, %dma_start3A_164] : memref<2048x16x2048xf32, #tpu.memory_space<hbm>> -> memref<1x16x2048xf32, #tpu.memory_space<hbm>>
      %dma_start3A_166 = arith.constant 0 : i32
      %dma_start3A_167 = arith.constant 0 : i32
      %dma_start3A_168 = tpu.memref_slice %arg4[%dma_start3A_166, %dma_start3A_167, %multiple_of3A] : memref<1x16x3968xf32, #tpu.memory_space<vmem>> -> memref<1x16x2048xf32, #tpu.memory_space<vmem>>
      tpu.enqueue_dma source(%dma_start3A_168 : memref<1x16x2048xf32, #tpu.memory_space<vmem>>) target(%dma_start3A_165 : memref<1x16x2048xf32, #tpu.memory_space<hbm>>) target_semaphore(%arg7 : memref<!tpu.dma_semaphore, #tpu.memory_space<semaphore_mem>>)
    }
    %scan3A_91 = arith.constant 16 : i32
    %mul3A_92 = arith.constant 4 : i32
    %mul3A_93 = arith.muli %mul3A_92, %add3A : i32
    %add3A_94 = arith.constant 1 : i32
    %add3A_95 = arith.addi %mul3A_93, %add3A_94 : i32
    %scan3A_96 = arith.constant 0 : i32
    %scan3A_97 = arith.constant 0 : i32
    %scan3A_98 = arith.constant 16 : i32
    %scan3A_99 = arith.addi %scan3A_97, %scan3A_98 : i32
    %scan3A_100 = arith.constant 1 : i32
    scf.for %scan3A_150 = %scan3A_97 to %scan3A_99 step %scan3A_100  : i32 {
      %mul3A_151 = arith.constant 128 : i32
      %mul3A_152 = arith.muli %mul3A_151, %scan3A_150 : i32
      %add3A_153 = arith.addi %add3A_95, %mul3A_152 : i32
      %mul3A_154 = arith.constant 128 : i32
      %mul3A_155 = arith.muli %mul3A_154, %scan3A_150 : i32
      %sub3A = arith.constant 1920 : i32
      %sub3A_156 = arith.subi %sub3A, %mul3A_155 : i32
      %multiple_of3A = tpu.assume_multiple %sub3A_156, 128 : i32
      %dma_wait3A_157 = arith.constant 0 : i32
      %dma_wait3A_158 = arith.constant 0 : i32
      %dma_wait3A_159 = tpu.memref_slice %arg5[%dma_wait3A_157, %dma_wait3A_158, %multiple_of3A] : memref<1x16x3968xf32, #tpu.memory_space<vmem>> -> memref<1x16x2048xf32, #tpu.memory_space<vmem>>
      %dma_wait3A_160 = arith.constant 0 : i32
      %dma_wait3A_161 = arith.constant 0 : i32
      %dma_wait3A_162 = tpu.memref_slice %arg3[%add3A_153, %dma_wait3A_160, %dma_wait3A_161] : memref<2048x16x2048xf32, #tpu.memory_space<hbm>> -> memref<1x16x2048xf32, #tpu.memory_space<hbm>>
      %dma_wait3A_163 = arith.constant 0 : i32
      %dma_wait3A_164 = arith.constant 0 : i32
      %dma_wait3A_165 = tpu.memref_slice %arg3[%add3A_153, %dma_wait3A_163, %dma_wait3A_164] : memref<2048x16x2048xf32, #tpu.memory_space<hbm>> -> memref<1x16x2048xf32, #tpu.memory_space<hbm>>
      %dma_wait3A_166 = arith.constant 0 : i32
      %dma_wait3A_167 = arith.constant 0 : i32
      %dma_wait3A_168 = tpu.memref_slice %arg5[%dma_wait3A_166, %dma_wait3A_167, %multiple_of3A] : memref<1x16x3968xf32, #tpu.memory_space<vmem>> -> memref<1x16x2048xf32, #tpu.memory_space<vmem>>
      tpu.wait_dma2 semaphore(%arg8 : memref<!tpu.dma_semaphore, #tpu.memory_space<semaphore_mem>>) src(%dma_wait3A_168 : memref<1x16x2048xf32, #tpu.memory_space<vmem>>) dst(%dma_wait3A_165 : memref<1x16x2048xf32, #tpu.memory_space<hbm>>)
    }
    %scan3A_101 = arith.constant 16 : i32
    %mul3A_102 = arith.constant 4 : i32
    %mul3A_103 = arith.muli %mul3A_102, %add3A : i32
    %add3A_104 = arith.constant 3 : i32
    %add3A_105 = arith.addi %mul3A_103, %add3A_104 : i32
    %dma_start3A_106 = arith.constant 0 : i32
    %dma_start3A_107 = arith.constant 0 : i32
    %dma_start3A_108 = tpu.memref_slice %arg2[%add3A_105, %dma_start3A_106, %dma_start3A_107] : memref<128x16x3968xf32, #tpu.memory_space<hbm>> -> memref<1x16x3968xf32, #tpu.memory_space<hbm>>
    %dma_start3A_109 = arith.constant 0 : i32
    %dma_start3A_110 = arith.constant 0 : i32
    %dma_start3A_111 = tpu.memref_slice %arg2[%add3A_105, %dma_start3A_109, %dma_start3A_110] : memref<128x16x3968xf32, #tpu.memory_space<hbm>> -> memref<1x16x3968xf32, #tpu.memory_space<hbm>>
    tpu.enqueue_dma source(%dma_start3A_111 : memref<1x16x3968xf32, #tpu.memory_space<hbm>>) target(%arg5 : memref<1x16x3968xf32, #tpu.memory_space<vmem>>) target_semaphore(%arg6 : memref<!tpu.dma_semaphore, #tpu.memory_space<semaphore_mem>>)
    %dma_wait3A_112 = arith.constant 0 : i32
    %dma_wait3A_113 = arith.constant 0 : i32
    %dma_wait3A_114 = arith.constant 0 : i32
    %dma_wait3A_115 = tpu.memref_slice %arg2[%dma_wait3A_112, %dma_wait3A_113, %dma_wait3A_114] : memref<128x16x3968xf32, #tpu.memory_space<hbm>> -> memref<1x16x3968xf32, #tpu.memory_space<hbm>>
    %dma_wait3A_116 = arith.constant 0 : i32
    %dma_wait3A_117 = arith.constant 0 : i32
    %dma_wait3A_118 = arith.constant 0 : i32
    %dma_wait3A_119 = tpu.memref_slice %arg2[%dma_wait3A_116, %dma_wait3A_117, %dma_wait3A_118] : memref<128x16x3968xf32, #tpu.memory_space<hbm>> -> memref<1x16x3968xf32, #tpu.memory_space<hbm>>
    tpu.wait_dma2 semaphore(%arg6 : memref<!tpu.dma_semaphore, #tpu.memory_space<semaphore_mem>>) src(%dma_wait3A_119 : memref<1x16x3968xf32, #tpu.memory_space<hbm>>) dst(%arg5 : memref<1x16x3968xf32, #tpu.memory_space<vmem>>)
    %mul3A_120 = arith.constant 4 : i32
    %mul3A_121 = arith.muli %mul3A_120, %add3A : i32
    %add3A_122 = arith.constant 3 : i32
    %add3A_123 = arith.addi %mul3A_121, %add3A_122 : i32
    %scan3A_124 = arith.constant 0 : i32
    %scan3A_125 = arith.constant 0 : i32
    %scan3A_126 = arith.constant 16 : i32
    %scan3A_127 = arith.addi %scan3A_125, %scan3A_126 : i32
    %scan3A_128 = arith.constant 1 : i32
    scf.for %scan3A_150 = %scan3A_125 to %scan3A_127 step %scan3A_128  : i32 {
      %mul3A_151 = arith.constant 128 : i32
      %mul3A_152 = arith.muli %mul3A_151, %scan3A_150 : i32
      %add3A_153 = arith.addi %add3A_123, %mul3A_152 : i32
      %mul3A_154 = arith.constant 128 : i32
      %mul3A_155 = arith.muli %mul3A_154, %scan3A_150 : i32
      %sub3A = arith.constant 1920 : i32
      %sub3A_156 = arith.subi %sub3A, %mul3A_155 : i32
      %multiple_of3A = tpu.assume_multiple %sub3A_156, 128 : i32
      %dma_start3A_157 = arith.constant 0 : i32
      %dma_start3A_158 = arith.constant 0 : i32
      %dma_start3A_159 = tpu.memref_slice %arg5[%dma_start3A_157, %dma_start3A_158, %multiple_of3A] : memref<1x16x3968xf32, #tpu.memory_space<vmem>> -> memref<1x16x2048xf32, #tpu.memory_space<vmem>>
      %dma_start3A_160 = arith.constant 0 : i32
      %dma_start3A_161 = arith.constant 0 : i32
      %dma_start3A_162 = tpu.memref_slice %arg3[%add3A_153, %dma_start3A_160, %dma_start3A_161] : memref<2048x16x2048xf32, #tpu.memory_space<hbm>> -> memref<1x16x2048xf32, #tpu.memory_space<hbm>>
      %dma_start3A_163 = arith.constant 0 : i32
      %dma_start3A_164 = arith.constant 0 : i32
      %dma_start3A_165 = tpu.memref_slice %arg3[%add3A_153, %dma_start3A_163, %dma_start3A_164] : memref<2048x16x2048xf32, #tpu.memory_space<hbm>> -> memref<1x16x2048xf32, #tpu.memory_space<hbm>>
      %dma_start3A_166 = arith.constant 0 : i32
      %dma_start3A_167 = arith.constant 0 : i32
      %dma_start3A_168 = tpu.memref_slice %arg5[%dma_start3A_166, %dma_start3A_167, %multiple_of3A] : memref<1x16x3968xf32, #tpu.memory_space<vmem>> -> memref<1x16x2048xf32, #tpu.memory_space<vmem>>
      tpu.enqueue_dma source(%dma_start3A_168 : memref<1x16x2048xf32, #tpu.memory_space<vmem>>) target(%dma_start3A_165 : memref<1x16x2048xf32, #tpu.memory_space<hbm>>) target_semaphore(%arg8 : memref<!tpu.dma_semaphore, #tpu.memory_space<semaphore_mem>>)
    }
    %scan3A_129 = arith.constant 16 : i32
    %mul3A_130 = arith.constant 4 : i32
    %mul3A_131 = arith.muli %mul3A_130, %add3A : i32
    %add3A_132 = arith.constant 2 : i32
    %add3A_133 = arith.addi %mul3A_131, %add3A_132 : i32
    %scan3A_134 = arith.constant 0 : i32
    %scan3A_135 = arith.constant 0 : i32
    %scan3A_136 = arith.constant 16 : i32
    %scan3A_137 = arith.addi %scan3A_135, %scan3A_136 : i32
    %scan3A_138 = arith.constant 1 : i32
    scf.for %scan3A_150 = %scan3A_135 to %scan3A_137 step %scan3A_138  : i32 {
      %mul3A_151 = arith.constant 128 : i32
      %mul3A_152 = arith.muli %mul3A_151, %scan3A_150 : i32
      %add3A_153 = arith.addi %add3A_133, %mul3A_152 : i32
      %mul3A_154 = arith.constant 128 : i32
      %mul3A_155 = arith.muli %mul3A_154, %scan3A_150 : i32
      %sub3A = arith.constant 1920 : i32
      %sub3A_156 = arith.subi %sub3A, %mul3A_155 : i32
      %multiple_of3A = tpu.assume_multiple %sub3A_156, 128 : i32
      %dma_wait3A_157 = arith.constant 0 : i32
      %dma_wait3A_158 = arith.constant 0 : i32
      %dma_wait3A_159 = tpu.memref_slice %arg4[%dma_wait3A_157, %dma_wait3A_158, %multiple_of3A] : memref<1x16x3968xf32, #tpu.memory_space<vmem>> -> memref<1x16x2048xf32, #tpu.memory_space<vmem>>
      %dma_wait3A_160 = arith.constant 0 : i32
      %dma_wait3A_161 = arith.constant 0 : i32
      %dma_wait3A_162 = tpu.memref_slice %arg3[%add3A_153, %dma_wait3A_160, %dma_wait3A_161] : memref<2048x16x2048xf32, #tpu.memory_space<hbm>> -> memref<1x16x2048xf32, #tpu.memory_space<hbm>>
      %dma_wait3A_163 = arith.constant 0 : i32
      %dma_wait3A_164 = arith.constant 0 : i32
      %dma_wait3A_165 = tpu.memref_slice %arg3[%add3A_153, %dma_wait3A_163, %dma_wait3A_164] : memref<2048x16x2048xf32, #tpu.memory_space<hbm>> -> memref<1x16x2048xf32, #tpu.memory_space<hbm>>
      %dma_wait3A_166 = arith.constant 0 : i32
      %dma_wait3A_167 = arith.constant 0 : i32
      %dma_wait3A_168 = tpu.memref_slice %arg4[%dma_wait3A_166, %dma_wait3A_167, %multiple_of3A] : memref<1x16x3968xf32, #tpu.memory_space<vmem>> -> memref<1x16x2048xf32, #tpu.memory_space<vmem>>
      tpu.wait_dma2 semaphore(%arg7 : memref<!tpu.dma_semaphore, #tpu.memory_space<semaphore_mem>>) src(%dma_wait3A_168 : memref<1x16x2048xf32, #tpu.memory_space<vmem>>) dst(%dma_wait3A_165 : memref<1x16x2048xf32, #tpu.memory_space<hbm>>)
    }
    %scan3A_139 = arith.constant 16 : i32
    %mul3A_140 = arith.constant 4 : i32
    %mul3A_141 = arith.muli %mul3A_140, %add3A : i32
    %add3A_142 = arith.constant 3 : i32
    %add3A_143 = arith.addi %mul3A_141, %add3A_142 : i32
    %scan3A_144 = arith.constant 0 : i32
    %scan3A_145 = arith.constant 0 : i32
    %scan3A_146 = arith.constant 16 : i32
    %scan3A_147 = arith.addi %scan3A_145, %scan3A_146 : i32
    %scan3A_148 = arith.constant 1 : i32
    scf.for %scan3A_150 = %scan3A_145 to %scan3A_147 step %scan3A_148  : i32 {
      %mul3A_151 = arith.constant 128 : i32
      %mul3A_152 = arith.muli %mul3A_151, %scan3A_150 : i32
      %add3A_153 = arith.addi %add3A_143, %mul3A_152 : i32
      %mul3A_154 = arith.constant 128 : i32
      %mul3A_155 = arith.muli %mul3A_154, %scan3A_150 : i32
      %sub3A = arith.constant 1920 : i32
      %sub3A_156 = arith.subi %sub3A, %mul3A_155 : i32
      %multiple_of3A = tpu.assume_multiple %sub3A_156, 128 : i32
      %dma_wait3A_157 = arith.constant 0 : i32
      %dma_wait3A_158 = arith.constant 0 : i32
      %dma_wait3A_159 = tpu.memref_slice %arg5[%dma_wait3A_157, %dma_wait3A_158, %multiple_of3A] : memref<1x16x3968xf32, #tpu.memory_space<vmem>> -> memref<1x16x2048xf32, #tpu.memory_space<vmem>>
      %dma_wait3A_160 = arith.constant 0 : i32
      %dma_wait3A_161 = arith.constant 0 : i32
      %dma_wait3A_162 = tpu.memref_slice %arg3[%add3A_153, %dma_wait3A_160, %dma_wait3A_161] : memref<2048x16x2048xf32, #tpu.memory_space<hbm>> -> memref<1x16x2048xf32, #tpu.memory_space<hbm>>
      %dma_wait3A_163 = arith.constant 0 : i32
      %dma_wait3A_164 = arith.constant 0 : i32
      %dma_wait3A_165 = tpu.memref_slice %arg3[%add3A_153, %dma_wait3A_163, %dma_wait3A_164] : memref<2048x16x2048xf32, #tpu.memory_space<hbm>> -> memref<1x16x2048xf32, #tpu.memory_space<hbm>>
      %dma_wait3A_166 = arith.constant 0 : i32
      %dma_wait3A_167 = arith.constant 0 : i32
      %dma_wait3A_168 = tpu.memref_slice %arg5[%dma_wait3A_166, %dma_wait3A_167, %multiple_of3A] : memref<1x16x3968xf32, #tpu.memory_space<vmem>> -> memref<1x16x2048xf32, #tpu.memory_space<vmem>>
      tpu.wait_dma2 semaphore(%arg8 : memref<!tpu.dma_semaphore, #tpu.memory_space<semaphore_mem>>) src(%dma_wait3A_168 : memref<1x16x2048xf32, #tpu.memory_space<vmem>>) dst(%dma_wait3A_165 : memref<1x16x2048xf32, #tpu.memory_space<hbm>>)
    }
    %scan3A_149 = arith.constant 16 : i32
    return
  }
}

module attributes {stable_mosaic.version = 14 : i64} {
  func.func @build_shifted(%arg0: memref<16x4096xf32, #tpu.memory_space<vmem>>, %arg1: memref<128x16x3968xf32, #tpu.memory_space<vmem>>) attributes {dimension_semantics = [], scalar_prefetch = 0 : i64, scratch_operands = 0 : i64, tpu.core_type = #tpu.core_type<tc>} {
    %get3A = arith.constant 0 : index
    %get3A_0 = arith.constant 128 : index
    %get3A_1 = vector.load %arg0[%get3A, %get3A_0] : memref<16x4096xf32, #tpu.memory_space<vmem>>, vector<16x3968xf32>
    %swap3A = arith.constant 0 : index
    %swap3A_2 = arith.constant 0 : index
    %swap3A_3 = arith.constant 0 : index
    %swap3A_4 = vector.load %arg1[%swap3A, %swap3A_2, %swap3A_3] : memref<128x16x3968xf32, #tpu.memory_space<vmem>>, vector<1x16x3968xf32>
    %swap3A_5 = vector.shape_cast %swap3A_4 : vector<1x16x3968xf32> to vector<16x3968xf32>
    %swap3A_6 = vector.shape_cast %get3A_1 : vector<16x3968xf32> to vector<1x16x3968xf32>
    tpu.vector_store %arg1[%swap3A, %swap3A_2, %swap3A_3], %swap3A_6 {strides = array<i32>} : memref<128x16x3968xf32, #tpu.memory_space<vmem>>, vector<1x16x3968xf32>,
    %get3A_7 = arith.constant 0 : index
    %get3A_8 = arith.constant 127 : index
    %get3A_9 = vector.load %arg0[%get3A_7, %get3A_8] : memref<16x4096xf32, #tpu.memory_space<vmem>>, vector<16x3968xf32>
    %swap3A_10 = arith.constant 1 : index
    %swap3A_11 = arith.constant 0 : index
    %swap3A_12 = arith.constant 0 : index
    %swap3A_13 = vector.load %arg1[%swap3A_10, %swap3A_11, %swap3A_12] : memref<128x16x3968xf32, #tpu.memory_space<vmem>>, vector<1x16x3968xf32>
    %swap3A_14 = vector.shape_cast %swap3A_13 : vector<1x16x3968xf32> to vector<16x3968xf32>
    %swap3A_15 = vector.shape_cast %get3A_9 : vector<16x3968xf32> to vector<1x16x3968xf32>
    tpu.vector_store %arg1[%swap3A_10, %swap3A_11, %swap3A_12], %swap3A_15 {strides = array<i32>} : memref<128x16x3968xf32, #tpu.memory_space<vmem>>, vector<1x16x3968xf32>,
    %get3A_16 = arith.constant 0 : index
    %get3A_17 = arith.constant 126 : index
    %get3A_18 = vector.load %arg0[%get3A_16, %get3A_17] : memref<16x4096xf32, #tpu.memory_space<vmem>>, vector<16x3968xf32>
    %swap3A_19 = arith.constant 2 : index
    %swap3A_20 = arith.constant 0 : index
    %swap3A_21 = arith.constant 0 : index
    %swap3A_22 = vector.load %arg1[%swap3A_19, %swap3A_20, %swap3A_21] : memref<128x16x3968xf32, #tpu.memory_space<vmem>>, vector<1x16x3968xf32>
    %swap3A_23 = vector.shape_cast %swap3A_22 : vector<1x16x3968xf32> to vector<16x3968xf32>
    %swap3A_24 = vector.shape_cast %get3A_18 : vector<16x3968xf32> to vector<1x16x3968xf32>
    tpu.vector_store %arg1[%swap3A_19, %swap3A_20, %swap3A_21], %swap3A_24 {strides = array<i32>} : memref<128x16x3968xf32, #tpu.memory_space<vmem>>, vector<1x16x3968xf32>,
    %get3A_25 = arith.constant 0 : index
    %get3A_26 = arith.constant 125 : index
    %get3A_27 = vector.load %arg0[%get3A_25, %get3A_26] : memref<16x4096xf32, #tpu.memory_space<vmem>>, vector<16x3968xf32>
    %swap3A_28 = arith.constant 3 : index
    %swap3A_29 = arith.constant 0 : index
    %swap3A_30 = arith.constant 0 : index
    %swap3A_31 = vector.load %arg1[%swap3A_28, %swap3A_29, %swap3A_30] : memref<128x16x3968xf32, #tpu.memory_space<vmem>>, vector<1x16x3968xf32>
    %swap3A_32 = vector.shape_cast %swap3A_31 : vector<1x16x3968xf32> to vector<16x3968xf32>
    %swap3A_33 = vector.shape_cast %get3A_27 : vector<16x3968xf32> to vector<1x16x3968xf32>
    tpu.vector_store %arg1[%swap3A_28, %swap3A_29, %swap3A_30], %swap3A_33 {strides = array<i32>} : memref<128x16x3968xf32, #tpu.memory_space<vmem>>, vector<1x16x3968xf32>,
    %get3A_34 = arith.constant 0 : index
    %get3A_35 = arith.constant 124 : index
    %get3A_36 = vector.load %arg0[%get3A_34, %get3A_35] : memref<16x4096xf32, #tpu.memory_space<vmem>>, vector<16x3968xf32>
    %swap3A_37 = arith.constant 4 : index
    %swap3A_38 = arith.constant 0 : index
    %swap3A_39 = arith.constant 0 : index
    %swap3A_40 = vector.load %arg1[%swap3A_37, %swap3A_38, %swap3A_39] : memref<128x16x3968xf32, #tpu.memory_space<vmem>>, vector<1x16x3968xf32>
    %swap3A_41 = vector.shape_cast %swap3A_40 : vector<1x16x3968xf32> to vector<16x3968xf32>
    %swap3A_42 = vector.shape_cast %get3A_36 : vector<16x3968xf32> to vector<1x16x3968xf32>
    tpu.vector_store %arg1[%swap3A_37, %swap3A_38, %swap3A_39], %swap3A_42 {strides = array<i32>} : memref<128x16x3968xf32, #tpu.memory_space<vmem>>, vector<1x16x3968xf32>,
    %get3A_43 = arith.constant 0 : index
    %get3A_44 = arith.constant 123 : index
    %get3A_45 = vector.load %arg0[%get3A_43, %get3A_44] : memref<16x4096xf32, #tpu.memory_space<vmem>>, vector<16x3968xf32>
    %swap3A_46 = arith.constant 5 : index
    %swap3A_47 = arith.constant 0 : index
    %swap3A_48 = arith.constant 0 : index
    %swap3A_49 = vector.load %arg1[%swap3A_46, %swap3A_47, %swap3A_48] : memref<128x16x3968xf32, #tpu.memory_space<vmem>>, vector<1x16x3968xf32>
    %swap3A_50 = vector.shape_cast %swap3A_49 : vector<1x16x3968xf32> to vector<16x3968xf32>
    %swap3A_51 = vector.shape_cast %get3A_45 : vector<16x3968xf32> to vector<1x16x3968xf32>
    tpu.vector_store %arg1[%swap3A_46, %swap3A_47, %swap3A_48], %swap3A_51 {strides = array<i32>} : memref<128x16x3968xf32, #tpu.memory_space<vmem>>, vector<1x16x3968xf32>,
    %get3A_52 = arith.constant 0 : index
    %get3A_53 = arith.constant 122 : index
    %get3A_54 = vector.load %arg0[%get3A_52, %get3A_53] : memref<16x4096xf32, #tpu.memory_space<vmem>>, vector<16x3968xf32>
    %swap3A_55 = arith.constant 6 : index
    %swap3A_56 = arith.constant 0 : index
    %swap3A_57 = arith.constant 0 : index
    %swap3A_58 = vector.load %arg1[%swap3A_55, %swap3A_56, %swap3A_57] : memref<128x16x3968xf32, #tpu.memory_space<vmem>>, vector<1x16x3968xf32>
    %swap3A_59 = vector.shape_cast %swap3A_58 : vector<1x16x3968xf32> to vector<16x3968xf32>
    %swap3A_60 = vector.shape_cast %get3A_54 : vector<16x3968xf32> to vector<1x16x3968xf32>
    tpu.vector_store %arg1[%swap3A_55, %swap3A_56, %swap3A_57], %swap3A_60 {strides = array<i32>} : memref<128x16x3968xf32, #tpu.memory_space<vmem>>, vector<1x16x3968xf32>,
    %get3A_61 = arith.constant 0 : index
    %get3A_62 = arith.constant 121 : index
    %get3A_63 = vector.load %arg0[%get3A_61, %get3A_62] : memref<16x4096xf32, #tpu.memory_space<vmem>>, vector<16x3968xf32>
    %swap3A_64 = arith.constant 7 : index
    %swap3A_65 = arith.constant 0 : index
    %swap3A_66 = arith.constant 0 : index
    %swap3A_67 = vector.load %arg1[%swap3A_64, %swap3A_65, %swap3A_66] : memref<128x16x3968xf32, #tpu.memory_space<vmem>>, vector<1x16x3968xf32>
    %swap3A_68 = vector.shape_cast %swap3A_67 : vector<1x16x3968xf32> to vector<16x3968xf32>
    %swap3A_69 = vector.shape_cast %get3A_63 : vector<16x3968xf32> to vector<1x16x3968xf32>
    tpu.vector_store %arg1[%swap3A_64, %swap3A_65, %swap3A_66], %swap3A_69 {strides = array<i32>} : memref<128x16x3968xf32, #tpu.memory_space<vmem>>, vector<1x16x3968xf32>,
    %get3A_70 = arith.constant 0 : index
    %get3A_71 = arith.constant 120 : index
    %get3A_72 = vector.load %arg0[%get3A_70, %get3A_71] : memref<16x4096xf32, #tpu.memory_space<vmem>>, vector<16x3968xf32>
    %swap3A_73 = arith.constant 8 : index
    %swap3A_74 = arith.constant 0 : index
    %swap3A_75 = arith.constant 0 : index
    %swap3A_76 = vector.load %arg1[%swap3A_73, %swap3A_74, %swap3A_75] : memref<128x16x3968xf32, #tpu.memory_space<vmem>>, vector<1x16x3968xf32>
    %swap3A_77 = vector.shape_cast %swap3A_76 : vector<1x16x3968xf32> to vector<16x3968xf32>
    %swap3A_78 = vector.shape_cast %get3A_72 : vector<16x3968xf32> to vector<1x16x3968xf32>
    tpu.vector_store %arg1[%swap3A_73, %swap3A_74, %swap3A_75], %swap3A_78 {strides = array<i32>} : memref<128x16x3968xf32, #tpu.memory_space<vmem>>, vector<1x16x3968xf32>,
    %get3A_79 = arith.constant 0 : index
    %get3A_80 = arith.constant 119 : index
    %get3A_81 = vector.load %arg0[%get3A_79, %get3A_80] : memref<16x4096xf32, #tpu.memory_space<vmem>>, vector<16x3968xf32>
    %swap3A_82 = arith.constant 9 : index
    %swap3A_83 = arith.constant 0 : index
    %swap3A_84 = arith.constant 0 : index
    %swap3A_85 = vector.load %arg1[%swap3A_82, %swap3A_83, %swap3A_84] : memref<128x16x3968xf32, #tpu.memory_space<vmem>>, vector<1x16x3968xf32>
    %swap3A_86 = vector.shape_cast %swap3A_85 : vector<1x16x3968xf32> to vector<16x3968xf32>
    %swap3A_87 = vector.shape_cast %get3A_81 : vector<16x3968xf32> to vector<1x16x3968xf32>
    tpu.vector_store %arg1[%swap3A_82, %swap3A_83, %swap3A_84], %swap3A_87 {strides = array<i32>} : memref<128x16x3968xf32, #tpu.memory_space<vmem>>, vector<1x16x3968xf32>,
    %get3A_88 = arith.constant 0 : index
    %get3A_89 = arith.constant 118 : index
    %get3A_90 = vector.load %arg0[%get3A_88, %get3A_89] : memref<16x4096xf32, #tpu.memory_space<vmem>>, vector<16x3968xf32>
    %swap3A_91 = arith.constant 10 : index
    %swap3A_92 = arith.constant 0 : index
    %swap3A_93 = arith.constant 0 : index
    %swap3A_94 = vector.load %arg1[%swap3A_91, %swap3A_92, %swap3A_93] : memref<128x16x3968xf32, #tpu.memory_space<vmem>>, vector<1x16x3968xf32>
    %swap3A_95 = vector.shape_cast %swap3A_94 : vector<1x16x3968xf32> to vector<16x3968xf32>
    %swap3A_96 = vector.shape_cast %get3A_90 : vector<16x3968xf32> to vector<1x16x3968xf32>
    tpu.vector_store %arg1[%swap3A_91, %swap3A_92, %swap3A_93], %swap3A_96 {strides = array<i32>} : memref<128x16x3968xf32, #tpu.memory_space<vmem>>, vector<1x16x3968xf32>,
    %get3A_97 = arith.constant 0 : index
    %get3A_98 = arith.constant 117 : index
    %get3A_99 = vector.load %arg0[%get3A_97, %get3A_98] : memref<16x4096xf32, #tpu.memory_space<vmem>>, vector<16x3968xf32>
    %swap3A_100 = arith.constant 11 : index
    %swap3A_101 = arith.constant 0 : index
    %swap3A_102 = arith.constant 0 : index
    %swap3A_103 = vector.load %arg1[%swap3A_100, %swap3A_101, %swap3A_102] : memref<128x16x3968xf32, #tpu.memory_space<vmem>>, vector<1x16x3968xf32>
    %swap3A_104 = vector.shape_cast %swap3A_103 : vector<1x16x3968xf32> to vector<16x3968xf32>
    %swap3A_105 = vector.shape_cast %get3A_99 : vector<16x3968xf32> to vector<1x16x3968xf32>
    tpu.vector_store %arg1[%swap3A_100, %swap3A_101, %swap3A_102], %swap3A_105 {strides = array<i32>} : memref<128x16x3968xf32, #tpu.memory_space<vmem>>, vector<1x16x3968xf32>,
    %get3A_106 = arith.constant 0 : index
    %get3A_107 = arith.constant 116 : index
    %get3A_108 = vector.load %arg0[%get3A_106, %get3A_107] : memref<16x4096xf32, #tpu.memory_space<vmem>>, vector<16x3968xf32>
    %swap3A_109 = arith.constant 12 : index
    %swap3A_110 = arith.constant 0 : index
    %swap3A_111 = arith.constant 0 : index
    %swap3A_112 = vector.load %arg1[%swap3A_109, %swap3A_110, %swap3A_111] : memref<128x16x3968xf32, #tpu.memory_space<vmem>>, vector<1x16x3968xf32>
    %swap3A_113 = vector.shape_cast %swap3A_112 : vector<1x16x3968xf32> to vector<16x3968xf32>
    %swap3A_114 = vector.shape_cast %get3A_108 : vector<16x3968xf32> to vector<1x16x3968xf32>
    tpu.vector_store %arg1[%swap3A_109, %swap3A_110, %swap3A_111], %swap3A_114 {strides = array<i32>} : memref<128x16x3968xf32, #tpu.memory_space<vmem>>, vector<1x16x3968xf32>,
    %get3A_115 = arith.constant 0 : index
    %get3A_116 = arith.constant 115 : index
    %get3A_117 = vector.load %arg0[%get3A_115, %get3A_116] : memref<16x4096xf32, #tpu.memory_space<vmem>>, vector<16x3968xf32>
    %swap3A_118 = arith.constant 13 : index
    %swap3A_119 = arith.constant 0 : index
    %swap3A_120 = arith.constant 0 : index
    %swap3A_121 = vector.load %arg1[%swap3A_118, %swap3A_119, %swap3A_120] : memref<128x16x3968xf32, #tpu.memory_space<vmem>>, vector<1x16x3968xf32>
    %swap3A_122 = vector.shape_cast %swap3A_121 : vector<1x16x3968xf32> to vector<16x3968xf32>
    %swap3A_123 = vector.shape_cast %get3A_117 : vector<16x3968xf32> to vector<1x16x3968xf32>
    tpu.vector_store %arg1[%swap3A_118, %swap3A_119, %swap3A_120], %swap3A_123 {strides = array<i32>} : memref<128x16x3968xf32, #tpu.memory_space<vmem>>, vector<1x16x3968xf32>,
    %get3A_124 = arith.constant 0 : index
    %get3A_125 = arith.constant 114 : index
    %get3A_126 = vector.load %arg0[%get3A_124, %get3A_125] : memref<16x4096xf32, #tpu.memory_space<vmem>>, vector<16x3968xf32>
    %swap3A_127 = arith.constant 14 : index
    %swap3A_128 = arith.constant 0 : index
    %swap3A_129 = arith.constant 0 : index
    %swap3A_130 = vector.load %arg1[%swap3A_127, %swap3A_128, %swap3A_129] : memref<128x16x3968xf32, #tpu.memory_space<vmem>>, vector<1x16x3968xf32>
    %swap3A_131 = vector.shape_cast %swap3A_130 : vector<1x16x3968xf32> to vector<16x3968xf32>
    %swap3A_132 = vector.shape_cast %get3A_126 : vector<16x3968xf32> to vector<1x16x3968xf32>
    tpu.vector_store %arg1[%swap3A_127, %swap3A_128, %swap3A_129], %swap3A_132 {strides = array<i32>} : memref<128x16x3968xf32, #tpu.memory_space<vmem>>, vector<1x16x3968xf32>,
    %get3A_133 = arith.constant 0 : index
    %get3A_134 = arith.constant 113 : index
    %get3A_135 = vector.load %arg0[%get3A_133, %get3A_134] : memref<16x4096xf32, #tpu.memory_space<vmem>>, vector<16x3968xf32>
    %swap3A_136 = arith.constant 15 : index
    %swap3A_137 = arith.constant 0 : index
    %swap3A_138 = arith.constant 0 : index
    %swap3A_139 = vector.load %arg1[%swap3A_136, %swap3A_137, %swap3A_138] : memref<128x16x3968xf32, #tpu.memory_space<vmem>>, vector<1x16x3968xf32>
    %swap3A_140 = vector.shape_cast %swap3A_139 : vector<1x16x3968xf32> to vector<16x3968xf32>
    %swap3A_141 = vector.shape_cast %get3A_135 : vector<16x3968xf32> to vector<1x16x3968xf32>
    tpu.vector_store %arg1[%swap3A_136, %swap3A_137, %swap3A_138], %swap3A_141 {strides = array<i32>} : memref<128x16x3968xf32, #tpu.memory_space<vmem>>, vector<1x16x3968xf32>,
    %get3A_142 = arith.constant 0 : index
    %get3A_143 = arith.constant 112 : index
    %get3A_144 = vector.load %arg0[%get3A_142, %get3A_143] : memref<16x4096xf32, #tpu.memory_space<vmem>>, vector<16x3968xf32>
    %swap3A_145 = arith.constant 16 : index
    %swap3A_146 = arith.constant 0 : index
    %swap3A_147 = arith.constant 0 : index
    %swap3A_148 = vector.load %arg1[%swap3A_145, %swap3A_146, %swap3A_147] : memref<128x16x3968xf32, #tpu.memory_space<vmem>>, vector<1x16x3968xf32>
    %swap3A_149 = vector.shape_cast %swap3A_148 : vector<1x16x3968xf32> to vector<16x3968xf32>
    %swap3A_150 = vector.shape_cast %get3A_144 : vector<16x3968xf32> to vector<1x16x3968xf32>
    tpu.vector_store %arg1[%swap3A_145, %swap3A_146, %swap3A_147], %swap3A_150 {strides = array<i32>} : memref<128x16x3968xf32, #tpu.memory_space<vmem>>, vector<1x16x3968xf32>,
    %get3A_151 = arith.constant 0 : index
    %get3A_152 = arith.constant 111 : index
    %get3A_153 = vector.load %arg0[%get3A_151, %get3A_152] : memref<16x4096xf32, #tpu.memory_space<vmem>>, vector<16x3968xf32>
    %swap3A_154 = arith.constant 17 : index
    %swap3A_155 = arith.constant 0 : index
    %swap3A_156 = arith.constant 0 : index
    %swap3A_157 = vector.load %arg1[%swap3A_154, %swap3A_155, %swap3A_156] : memref<128x16x3968xf32, #tpu.memory_space<vmem>>, vector<1x16x3968xf32>
    %swap3A_158 = vector.shape_cast %swap3A_157 : vector<1x16x3968xf32> to vector<16x3968xf32>
    %swap3A_159 = vector.shape_cast %get3A_153 : vector<16x3968xf32> to vector<1x16x3968xf32>
    tpu.vector_store %arg1[%swap3A_154, %swap3A_155, %swap3A_156], %swap3A_159 {strides = array<i32>} : memref<128x16x3968xf32, #tpu.memory_space<vmem>>, vector<1x16x3968xf32>,
    %get3A_160 = arith.constant 0 : index
    %get3A_161 = arith.constant 110 : index
    %get3A_162 = vector.load %arg0[%get3A_160, %get3A_161] : memref<16x4096xf32, #tpu.memory_space<vmem>>, vector<16x3968xf32>
    %swap3A_163 = arith.constant 18 : index
    %swap3A_164 = arith.constant 0 : index
    %swap3A_165 = arith.constant 0 : index
    %swap3A_166 = vector.load %arg1[%swap3A_163, %swap3A_164, %swap3A_165] : memref<128x16x3968xf32, #tpu.memory_space<vmem>>, vector<1x16x3968xf32>
    %swap3A_167 = vector.shape_cast %swap3A_166 : vector<1x16x3968xf32> to vector<16x3968xf32>
    %swap3A_168 = vector.shape_cast %get3A_162 : vector<16x3968xf32> to vector<1x16x3968xf32>
    tpu.vector_store %arg1[%swap3A_163, %swap3A_164, %swap3A_165], %swap3A_168 {strides = array<i32>} : memref<128x16x3968xf32, #tpu.memory_space<vmem>>, vector<1x16x3968xf32>,
    %get3A_169 = arith.constant 0 : index
    %get3A_170 = arith.constant 109 : index
    %get3A_171 = vector.load %arg0[%get3A_169, %get3A_170] : memref<16x4096xf32, #tpu.memory_space<vmem>>, vector<16x3968xf32>
    %swap3A_172 = arith.constant 19 : index
    %swap3A_173 = arith.constant 0 : index
    %swap3A_174 = arith.constant 0 : index
    %swap3A_175 = vector.load %arg1[%swap3A_172, %swap3A_173, %swap3A_174] : memref<128x16x3968xf32, #tpu.memory_space<vmem>>, vector<1x16x3968xf32>
    %swap3A_176 = vector.shape_cast %swap3A_175 : vector<1x16x3968xf32> to vector<16x3968xf32>
    %swap3A_177 = vector.shape_cast %get3A_171 : vector<16x3968xf32> to vector<1x16x3968xf32>
    tpu.vector_store %arg1[%swap3A_172, %swap3A_173, %swap3A_174], %swap3A_177 {strides = array<i32>} : memref<128x16x3968xf32, #tpu.memory_space<vmem>>, vector<1x16x3968xf32>,
    %get3A_178 = arith.constant 0 : index
    %get3A_179 = arith.constant 108 : index
    %get3A_180 = vector.load %arg0[%get3A_178, %get3A_179] : memref<16x4096xf32, #tpu.memory_space<vmem>>, vector<16x3968xf32>
    %swap3A_181 = arith.constant 20 : index
    %swap3A_182 = arith.constant 0 : index
    %swap3A_183 = arith.constant 0 : index
    %swap3A_184 = vector.load %arg1[%swap3A_181, %swap3A_182, %swap3A_183] : memref<128x16x3968xf32, #tpu.memory_space<vmem>>, vector<1x16x3968xf32>
    %swap3A_185 = vector.shape_cast %swap3A_184 : vector<1x16x3968xf32> to vector<16x3968xf32>
    %swap3A_186 = vector.shape_cast %get3A_180 : vector<16x3968xf32> to vector<1x16x3968xf32>
    tpu.vector_store %arg1[%swap3A_181, %swap3A_182, %swap3A_183], %swap3A_186 {strides = array<i32>} : memref<128x16x3968xf32, #tpu.memory_space<vmem>>, vector<1x16x3968xf32>,
    %get3A_187 = arith.constant 0 : index
    %get3A_188 = arith.constant 107 : index
    %get3A_189 = vector.load %arg0[%get3A_187, %get3A_188] : memref<16x4096xf32, #tpu.memory_space<vmem>>, vector<16x3968xf32>
    %swap3A_190 = arith.constant 21 : index
    %swap3A_191 = arith.constant 0 : index
    %swap3A_192 = arith.constant 0 : index
    %swap3A_193 = vector.load %arg1[%swap3A_190, %swap3A_191, %swap3A_192] : memref<128x16x3968xf32, #tpu.memory_space<vmem>>, vector<1x16x3968xf32>
    %swap3A_194 = vector.shape_cast %swap3A_193 : vector<1x16x3968xf32> to vector<16x3968xf32>
    %swap3A_195 = vector.shape_cast %get3A_189 : vector<16x3968xf32> to vector<1x16x3968xf32>
    tpu.vector_store %arg1[%swap3A_190, %swap3A_191, %swap3A_192], %swap3A_195 {strides = array<i32>} : memref<128x16x3968xf32, #tpu.memory_space<vmem>>, vector<1x16x3968xf32>,
    %get3A_196 = arith.constant 0 : index
    %get3A_197 = arith.constant 106 : index
    %get3A_198 = vector.load %arg0[%get3A_196, %get3A_197] : memref<16x4096xf32, #tpu.memory_space<vmem>>, vector<16x3968xf32>
    %swap3A_199 = arith.constant 22 : index
    %swap3A_200 = arith.constant 0 : index
    %swap3A_201 = arith.constant 0 : index
    %swap3A_202 = vector.load %arg1[%swap3A_199, %swap3A_200, %swap3A_201] : memref<128x16x3968xf32, #tpu.memory_space<vmem>>, vector<1x16x3968xf32>
    %swap3A_203 = vector.shape_cast %swap3A_202 : vector<1x16x3968xf32> to vector<16x3968xf32>
    %swap3A_204 = vector.shape_cast %get3A_198 : vector<16x3968xf32> to vector<1x16x3968xf32>
    tpu.vector_store %arg1[%swap3A_199, %swap3A_200, %swap3A_201], %swap3A_204 {strides = array<i32>} : memref<128x16x3968xf32, #tpu.memory_space<vmem>>, vector<1x16x3968xf32>,
    %get3A_205 = arith.constant 0 : index
    %get3A_206 = arith.constant 105 : index
    %get3A_207 = vector.load %arg0[%get3A_205, %get3A_206] : memref<16x4096xf32, #tpu.memory_space<vmem>>, vector<16x3968xf32>
    %swap3A_208 = arith.constant 23 : index
    %swap3A_209 = arith.constant 0 : index
    %swap3A_210 = arith.constant 0 : index
    %swap3A_211 = vector.load %arg1[%swap3A_208, %swap3A_209, %swap3A_210] : memref<128x16x3968xf32, #tpu.memory_space<vmem>>, vector<1x16x3968xf32>
    %swap3A_212 = vector.shape_cast %swap3A_211 : vector<1x16x3968xf32> to vector<16x3968xf32>
    %swap3A_213 = vector.shape_cast %get3A_207 : vector<16x3968xf32> to vector<1x16x3968xf32>
    tpu.vector_store %arg1[%swap3A_208, %swap3A_209, %swap3A_210], %swap3A_213 {strides = array<i32>} : memref<128x16x3968xf32, #tpu.memory_space<vmem>>, vector<1x16x3968xf32>,
    %get3A_214 = arith.constant 0 : index
    %get3A_215 = arith.constant 104 : index
    %get3A_216 = vector.load %arg0[%get3A_214, %get3A_215] : memref<16x4096xf32, #tpu.memory_space<vmem>>, vector<16x3968xf32>
    %swap3A_217 = arith.constant 24 : index
    %swap3A_218 = arith.constant 0 : index
    %swap3A_219 = arith.constant 0 : index
    %swap3A_220 = vector.load %arg1[%swap3A_217, %swap3A_218, %swap3A_219] : memref<128x16x3968xf32, #tpu.memory_space<vmem>>, vector<1x16x3968xf32>
    %swap3A_221 = vector.shape_cast %swap3A_220 : vector<1x16x3968xf32> to vector<16x3968xf32>
    %swap3A_222 = vector.shape_cast %get3A_216 : vector<16x3968xf32> to vector<1x16x3968xf32>
    tpu.vector_store %arg1[%swap3A_217, %swap3A_218, %swap3A_219], %swap3A_222 {strides = array<i32>} : memref<128x16x3968xf32, #tpu.memory_space<vmem>>, vector<1x16x3968xf32>,
    %get3A_223 = arith.constant 0 : index
    %get3A_224 = arith.constant 103 : index
    %get3A_225 = vector.load %arg0[%get3A_223, %get3A_224] : memref<16x4096xf32, #tpu.memory_space<vmem>>, vector<16x3968xf32>
    %swap3A_226 = arith.constant 25 : index
    %swap3A_227 = arith.constant 0 : index
    %swap3A_228 = arith.constant 0 : index
    %swap3A_229 = vector.load %arg1[%swap3A_226, %swap3A_227, %swap3A_228] : memref<128x16x3968xf32, #tpu.memory_space<vmem>>, vector<1x16x3968xf32>
    %swap3A_230 = vector.shape_cast %swap3A_229 : vector<1x16x3968xf32> to vector<16x3968xf32>
    %swap3A_231 = vector.shape_cast %get3A_225 : vector<16x3968xf32> to vector<1x16x3968xf32>
    tpu.vector_store %arg1[%swap3A_226, %swap3A_227, %swap3A_228], %swap3A_231 {strides = array<i32>} : memref<128x16x3968xf32, #tpu.memory_space<vmem>>, vector<1x16x3968xf32>,
    %get3A_232 = arith.constant 0 : index
    %get3A_233 = arith.constant 102 : index
    %get3A_234 = vector.load %arg0[%get3A_232, %get3A_233] : memref<16x4096xf32, #tpu.memory_space<vmem>>, vector<16x3968xf32>
    %swap3A_235 = arith.constant 26 : index
    %swap3A_236 = arith.constant 0 : index
    %swap3A_237 = arith.constant 0 : index
    %swap3A_238 = vector.load %arg1[%swap3A_235, %swap3A_236, %swap3A_237] : memref<128x16x3968xf32, #tpu.memory_space<vmem>>, vector<1x16x3968xf32>
    %swap3A_239 = vector.shape_cast %swap3A_238 : vector<1x16x3968xf32> to vector<16x3968xf32>
    %swap3A_240 = vector.shape_cast %get3A_234 : vector<16x3968xf32> to vector<1x16x3968xf32>
    tpu.vector_store %arg1[%swap3A_235, %swap3A_236, %swap3A_237], %swap3A_240 {strides = array<i32>} : memref<128x16x3968xf32, #tpu.memory_space<vmem>>, vector<1x16x3968xf32>,
    %get3A_241 = arith.constant 0 : index
    %get3A_242 = arith.constant 101 : index
    %get3A_243 = vector.load %arg0[%get3A_241, %get3A_242] : memref<16x4096xf32, #tpu.memory_space<vmem>>, vector<16x3968xf32>
    %swap3A_244 = arith.constant 27 : index
    %swap3A_245 = arith.constant 0 : index
    %swap3A_246 = arith.constant 0 : index
    %swap3A_247 = vector.load %arg1[%swap3A_244, %swap3A_245, %swap3A_246] : memref<128x16x3968xf32, #tpu.memory_space<vmem>>, vector<1x16x3968xf32>
    %swap3A_248 = vector.shape_cast %swap3A_247 : vector<1x16x3968xf32> to vector<16x3968xf32>
    %swap3A_249 = vector.shape_cast %get3A_243 : vector<16x3968xf32> to vector<1x16x3968xf32>
    tpu.vector_store %arg1[%swap3A_244, %swap3A_245, %swap3A_246], %swap3A_249 {strides = array<i32>} : memref<128x16x3968xf32, #tpu.memory_space<vmem>>, vector<1x16x3968xf32>,
    %get3A_250 = arith.constant 0 : index
    %get3A_251 = arith.constant 100 : index
    %get3A_252 = vector.load %arg0[%get3A_250, %get3A_251] : memref<16x4096xf32, #tpu.memory_space<vmem>>, vector<16x3968xf32>
    %swap3A_253 = arith.constant 28 : index
    %swap3A_254 = arith.constant 0 : index
    %swap3A_255 = arith.constant 0 : index
    %swap3A_256 = vector.load %arg1[%swap3A_253, %swap3A_254, %swap3A_255] : memref<128x16x3968xf32, #tpu.memory_space<vmem>>, vector<1x16x3968xf32>
    %swap3A_257 = vector.shape_cast %swap3A_256 : vector<1x16x3968xf32> to vector<16x3968xf32>
    %swap3A_258 = vector.shape_cast %get3A_252 : vector<16x3968xf32> to vector<1x16x3968xf32>
    tpu.vector_store %arg1[%swap3A_253, %swap3A_254, %swap3A_255], %swap3A_258 {strides = array<i32>} : memref<128x16x3968xf32, #tpu.memory_space<vmem>>, vector<1x16x3968xf32>,
    %get3A_259 = arith.constant 0 : index
    %get3A_260 = arith.constant 99 : index
    %get3A_261 = vector.load %arg0[%get3A_259, %get3A_260] : memref<16x4096xf32, #tpu.memory_space<vmem>>, vector<16x3968xf32>
    %swap3A_262 = arith.constant 29 : index
    %swap3A_263 = arith.constant 0 : index
    %swap3A_264 = arith.constant 0 : index
    %swap3A_265 = vector.load %arg1[%swap3A_262, %swap3A_263, %swap3A_264] : memref<128x16x3968xf32, #tpu.memory_space<vmem>>, vector<1x16x3968xf32>
    %swap3A_266 = vector.shape_cast %swap3A_265 : vector<1x16x3968xf32> to vector<16x3968xf32>
    %swap3A_267 = vector.shape_cast %get3A_261 : vector<16x3968xf32> to vector<1x16x3968xf32>
    tpu.vector_store %arg1[%swap3A_262, %swap3A_263, %swap3A_264], %swap3A_267 {strides = array<i32>} : memref<128x16x3968xf32, #tpu.memory_space<vmem>>, vector<1x16x3968xf32>,
    %get3A_268 = arith.constant 0 : index
    %get3A_269 = arith.constant 98 : index
    %get3A_270 = vector.load %arg0[%get3A_268, %get3A_269] : memref<16x4096xf32, #tpu.memory_space<vmem>>, vector<16x3968xf32>
    %swap3A_271 = arith.constant 30 : index
    %swap3A_272 = arith.constant 0 : index
    %swap3A_273 = arith.constant 0 : index
    %swap3A_274 = vector.load %arg1[%swap3A_271, %swap3A_272, %swap3A_273] : memref<128x16x3968xf32, #tpu.memory_space<vmem>>, vector<1x16x3968xf32>
    %swap3A_275 = vector.shape_cast %swap3A_274 : vector<1x16x3968xf32> to vector<16x3968xf32>
    %swap3A_276 = vector.shape_cast %get3A_270 : vector<16x3968xf32> to vector<1x16x3968xf32>
    tpu.vector_store %arg1[%swap3A_271, %swap3A_272, %swap3A_273], %swap3A_276 {strides = array<i32>} : memref<128x16x3968xf32, #tpu.memory_space<vmem>>, vector<1x16x3968xf32>,
    %get3A_277 = arith.constant 0 : index
    %get3A_278 = arith.constant 97 : index
    %get3A_279 = vector.load %arg0[%get3A_277, %get3A_278] : memref<16x4096xf32, #tpu.memory_space<vmem>>, vector<16x3968xf32>
    %swap3A_280 = arith.constant 31 : index
    %swap3A_281 = arith.constant 0 : index
    %swap3A_282 = arith.constant 0 : index
    %swap3A_283 = vector.load %arg1[%swap3A_280, %swap3A_281, %swap3A_282] : memref<128x16x3968xf32, #tpu.memory_space<vmem>>, vector<1x16x3968xf32>
    %swap3A_284 = vector.shape_cast %swap3A_283 : vector<1x16x3968xf32> to vector<16x3968xf32>
    %swap3A_285 = vector.shape_cast %get3A_279 : vector<16x3968xf32> to vector<1x16x3968xf32>
    tpu.vector_store %arg1[%swap3A_280, %swap3A_281, %swap3A_282], %swap3A_285 {strides = array<i32>} : memref<128x16x3968xf32, #tpu.memory_space<vmem>>, vector<1x16x3968xf32>,
    %get3A_286 = arith.constant 0 : index
    %get3A_287 = arith.constant 96 : index
    %get3A_288 = vector.load %arg0[%get3A_286, %get3A_287] : memref<16x4096xf32, #tpu.memory_space<vmem>>, vector<16x3968xf32>
    %swap3A_289 = arith.constant 32 : index
    %swap3A_290 = arith.constant 0 : index
    %swap3A_291 = arith.constant 0 : index
    %swap3A_292 = vector.load %arg1[%swap3A_289, %swap3A_290, %swap3A_291] : memref<128x16x3968xf32, #tpu.memory_space<vmem>>, vector<1x16x3968xf32>
    %swap3A_293 = vector.shape_cast %swap3A_292 : vector<1x16x3968xf32> to vector<16x3968xf32>
    %swap3A_294 = vector.shape_cast %get3A_288 : vector<16x3968xf32> to vector<1x16x3968xf32>
    tpu.vector_store %arg1[%swap3A_289, %swap3A_290, %swap3A_291], %swap3A_294 {strides = array<i32>} : memref<128x16x3968xf32, #tpu.memory_space<vmem>>, vector<1x16x3968xf32>,
    %get3A_295 = arith.constant 0 : index
    %get3A_296 = arith.constant 95 : index
    %get3A_297 = vector.load %arg0[%get3A_295, %get3A_296] : memref<16x4096xf32, #tpu.memory_space<vmem>>, vector<16x3968xf32>
    %swap3A_298 = arith.constant 33 : index
    %swap3A_299 = arith.constant 0 : index
    %swap3A_300 = arith.constant 0 : index
    %swap3A_301 = vector.load %arg1[%swap3A_298, %swap3A_299, %swap3A_300] : memref<128x16x3968xf32, #tpu.memory_space<vmem>>, vector<1x16x3968xf32>
    %swap3A_302 = vector.shape_cast %swap3A_301 : vector<1x16x3968xf32> to vector<16x3968xf32>
    %swap3A_303 = vector.shape_cast %get3A_297 : vector<16x3968xf32> to vector<1x16x3968xf32>
    tpu.vector_store %arg1[%swap3A_298, %swap3A_299, %swap3A_300], %swap3A_303 {strides = array<i32>} : memref<128x16x3968xf32, #tpu.memory_space<vmem>>, vector<1x16x3968xf32>,
    %get3A_304 = arith.constant 0 : index
    %get3A_305 = arith.constant 94 : index
    %get3A_306 = vector.load %arg0[%get3A_304, %get3A_305] : memref<16x4096xf32, #tpu.memory_space<vmem>>, vector<16x3968xf32>
    %swap3A_307 = arith.constant 34 : index
    %swap3A_308 = arith.constant 0 : index
    %swap3A_309 = arith.constant 0 : index
    %swap3A_310 = vector.load %arg1[%swap3A_307, %swap3A_308, %swap3A_309] : memref<128x16x3968xf32, #tpu.memory_space<vmem>>, vector<1x16x3968xf32>
    %swap3A_311 = vector.shape_cast %swap3A_310 : vector<1x16x3968xf32> to vector<16x3968xf32>
    %swap3A_312 = vector.shape_cast %get3A_306 : vector<16x3968xf32> to vector<1x16x3968xf32>
    tpu.vector_store %arg1[%swap3A_307, %swap3A_308, %swap3A_309], %swap3A_312 {strides = array<i32>} : memref<128x16x3968xf32, #tpu.memory_space<vmem>>, vector<1x16x3968xf32>,
    %get3A_313 = arith.constant 0 : index
    %get3A_314 = arith.constant 93 : index
    %get3A_315 = vector.load %arg0[%get3A_313, %get3A_314] : memref<16x4096xf32, #tpu.memory_space<vmem>>, vector<16x3968xf32>
    %swap3A_316 = arith.constant 35 : index
    %swap3A_317 = arith.constant 0 : index
    %swap3A_318 = arith.constant 0 : index
    %swap3A_319 = vector.load %arg1[%swap3A_316, %swap3A_317, %swap3A_318] : memref<128x16x3968xf32, #tpu.memory_space<vmem>>, vector<1x16x3968xf32>
    %swap3A_320 = vector.shape_cast %swap3A_319 : vector<1x16x3968xf32> to vector<16x3968xf32>
    %swap3A_321 = vector.shape_cast %get3A_315 : vector<16x3968xf32> to vector<1x16x3968xf32>
    tpu.vector_store %arg1[%swap3A_316, %swap3A_317, %swap3A_318], %swap3A_321 {strides = array<i32>} : memref<128x16x3968xf32, #tpu.memory_space<vmem>>, vector<1x16x3968xf32>,
    %get3A_322 = arith.constant 0 : index
    %get3A_323 = arith.constant 92 : index
    %get3A_324 = vector.load %arg0[%get3A_322, %get3A_323] : memref<16x4096xf32, #tpu.memory_space<vmem>>, vector<16x3968xf32>
    %swap3A_325 = arith.constant 36 : index
    %swap3A_326 = arith.constant 0 : index
    %swap3A_327 = arith.constant 0 : index
    %swap3A_328 = vector.load %arg1[%swap3A_325, %swap3A_326, %swap3A_327] : memref<128x16x3968xf32, #tpu.memory_space<vmem>>, vector<1x16x3968xf32>
    %swap3A_329 = vector.shape_cast %swap3A_328 : vector<1x16x3968xf32> to vector<16x3968xf32>
    %swap3A_330 = vector.shape_cast %get3A_324 : vector<16x3968xf32> to vector<1x16x3968xf32>
    tpu.vector_store %arg1[%swap3A_325, %swap3A_326, %swap3A_327], %swap3A_330 {strides = array<i32>} : memref<128x16x3968xf32, #tpu.memory_space<vmem>>, vector<1x16x3968xf32>,
    %get3A_331 = arith.constant 0 : index
    %get3A_332 = arith.constant 91 : index
    %get3A_333 = vector.load %arg0[%get3A_331, %get3A_332] : memref<16x4096xf32, #tpu.memory_space<vmem>>, vector<16x3968xf32>
    %swap3A_334 = arith.constant 37 : index
    %swap3A_335 = arith.constant 0 : index
    %swap3A_336 = arith.constant 0 : index
    %swap3A_337 = vector.load %arg1[%swap3A_334, %swap3A_335, %swap3A_336] : memref<128x16x3968xf32, #tpu.memory_space<vmem>>, vector<1x16x3968xf32>
    %swap3A_338 = vector.shape_cast %swap3A_337 : vector<1x16x3968xf32> to vector<16x3968xf32>
    %swap3A_339 = vector.shape_cast %get3A_333 : vector<16x3968xf32> to vector<1x16x3968xf32>
    tpu.vector_store %arg1[%swap3A_334, %swap3A_335, %swap3A_336], %swap3A_339 {strides = array<i32>} : memref<128x16x3968xf32, #tpu.memory_space<vmem>>, vector<1x16x3968xf32>,
    %get3A_340 = arith.constant 0 : index
    %get3A_341 = arith.constant 90 : index
    %get3A_342 = vector.load %arg0[%get3A_340, %get3A_341] : memref<16x4096xf32, #tpu.memory_space<vmem>>, vector<16x3968xf32>
    %swap3A_343 = arith.constant 38 : index
    %swap3A_344 = arith.constant 0 : index
    %swap3A_345 = arith.constant 0 : index
    %swap3A_346 = vector.load %arg1[%swap3A_343, %swap3A_344, %swap3A_345] : memref<128x16x3968xf32, #tpu.memory_space<vmem>>, vector<1x16x3968xf32>
    %swap3A_347 = vector.shape_cast %swap3A_346 : vector<1x16x3968xf32> to vector<16x3968xf32>
    %swap3A_348 = vector.shape_cast %get3A_342 : vector<16x3968xf32> to vector<1x16x3968xf32>
    tpu.vector_store %arg1[%swap3A_343, %swap3A_344, %swap3A_345], %swap3A_348 {strides = array<i32>} : memref<128x16x3968xf32, #tpu.memory_space<vmem>>, vector<1x16x3968xf32>,
    %get3A_349 = arith.constant 0 : index
    %get3A_350 = arith.constant 89 : index
    %get3A_351 = vector.load %arg0[%get3A_349, %get3A_350] : memref<16x4096xf32, #tpu.memory_space<vmem>>, vector<16x3968xf32>
    %swap3A_352 = arith.constant 39 : index
    %swap3A_353 = arith.constant 0 : index
    %swap3A_354 = arith.constant 0 : index
    %swap3A_355 = vector.load %arg1[%swap3A_352, %swap3A_353, %swap3A_354] : memref<128x16x3968xf32, #tpu.memory_space<vmem>>, vector<1x16x3968xf32>
    %swap3A_356 = vector.shape_cast %swap3A_355 : vector<1x16x3968xf32> to vector<16x3968xf32>
    %swap3A_357 = vector.shape_cast %get3A_351 : vector<16x3968xf32> to vector<1x16x3968xf32>
    tpu.vector_store %arg1[%swap3A_352, %swap3A_353, %swap3A_354], %swap3A_357 {strides = array<i32>} : memref<128x16x3968xf32, #tpu.memory_space<vmem>>, vector<1x16x3968xf32>,
    %get3A_358 = arith.constant 0 : index
    %get3A_359 = arith.constant 88 : index
    %get3A_360 = vector.load %arg0[%get3A_358, %get3A_359] : memref<16x4096xf32, #tpu.memory_space<vmem>>, vector<16x3968xf32>
    %swap3A_361 = arith.constant 40 : index
    %swap3A_362 = arith.constant 0 : index
    %swap3A_363 = arith.constant 0 : index
    %swap3A_364 = vector.load %arg1[%swap3A_361, %swap3A_362, %swap3A_363] : memref<128x16x3968xf32, #tpu.memory_space<vmem>>, vector<1x16x3968xf32>
    %swap3A_365 = vector.shape_cast %swap3A_364 : vector<1x16x3968xf32> to vector<16x3968xf32>
    %swap3A_366 = vector.shape_cast %get3A_360 : vector<16x3968xf32> to vector<1x16x3968xf32>
    tpu.vector_store %arg1[%swap3A_361, %swap3A_362, %swap3A_363], %swap3A_366 {strides = array<i32>} : memref<128x16x3968xf32, #tpu.memory_space<vmem>>, vector<1x16x3968xf32>,
    %get3A_367 = arith.constant 0 : index
    %get3A_368 = arith.constant 87 : index
    %get3A_369 = vector.load %arg0[%get3A_367, %get3A_368] : memref<16x4096xf32, #tpu.memory_space<vmem>>, vector<16x3968xf32>
    %swap3A_370 = arith.constant 41 : index
    %swap3A_371 = arith.constant 0 : index
    %swap3A_372 = arith.constant 0 : index
    %swap3A_373 = vector.load %arg1[%swap3A_370, %swap3A_371, %swap3A_372] : memref<128x16x3968xf32, #tpu.memory_space<vmem>>, vector<1x16x3968xf32>
    %swap3A_374 = vector.shape_cast %swap3A_373 : vector<1x16x3968xf32> to vector<16x3968xf32>
    %swap3A_375 = vector.shape_cast %get3A_369 : vector<16x3968xf32> to vector<1x16x3968xf32>
    tpu.vector_store %arg1[%swap3A_370, %swap3A_371, %swap3A_372], %swap3A_375 {strides = array<i32>} : memref<128x16x3968xf32, #tpu.memory_space<vmem>>, vector<1x16x3968xf32>,
    %get3A_376 = arith.constant 0 : index
    %get3A_377 = arith.constant 86 : index
    %get3A_378 = vector.load %arg0[%get3A_376, %get3A_377] : memref<16x4096xf32, #tpu.memory_space<vmem>>, vector<16x3968xf32>
    %swap3A_379 = arith.constant 42 : index
    %swap3A_380 = arith.constant 0 : index
    %swap3A_381 = arith.constant 0 : index
    %swap3A_382 = vector.load %arg1[%swap3A_379, %swap3A_380, %swap3A_381] : memref<128x16x3968xf32, #tpu.memory_space<vmem>>, vector<1x16x3968xf32>
    %swap3A_383 = vector.shape_cast %swap3A_382 : vector<1x16x3968xf32> to vector<16x3968xf32>
    %swap3A_384 = vector.shape_cast %get3A_378 : vector<16x3968xf32> to vector<1x16x3968xf32>
    tpu.vector_store %arg1[%swap3A_379, %swap3A_380, %swap3A_381], %swap3A_384 {strides = array<i32>} : memref<128x16x3968xf32, #tpu.memory_space<vmem>>, vector<1x16x3968xf32>,
    %get3A_385 = arith.constant 0 : index
    %get3A_386 = arith.constant 85 : index
    %get3A_387 = vector.load %arg0[%get3A_385, %get3A_386] : memref<16x4096xf32, #tpu.memory_space<vmem>>, vector<16x3968xf32>
    %swap3A_388 = arith.constant 43 : index
    %swap3A_389 = arith.constant 0 : index
    %swap3A_390 = arith.constant 0 : index
    %swap3A_391 = vector.load %arg1[%swap3A_388, %swap3A_389, %swap3A_390] : memref<128x16x3968xf32, #tpu.memory_space<vmem>>, vector<1x16x3968xf32>
    %swap3A_392 = vector.shape_cast %swap3A_391 : vector<1x16x3968xf32> to vector<16x3968xf32>
    %swap3A_393 = vector.shape_cast %get3A_387 : vector<16x3968xf32> to vector<1x16x3968xf32>
    tpu.vector_store %arg1[%swap3A_388, %swap3A_389, %swap3A_390], %swap3A_393 {strides = array<i32>} : memref<128x16x3968xf32, #tpu.memory_space<vmem>>, vector<1x16x3968xf32>,
    %get3A_394 = arith.constant 0 : index
    %get3A_395 = arith.constant 84 : index
    %get3A_396 = vector.load %arg0[%get3A_394, %get3A_395] : memref<16x4096xf32, #tpu.memory_space<vmem>>, vector<16x3968xf32>
    %swap3A_397 = arith.constant 44 : index
    %swap3A_398 = arith.constant 0 : index
    %swap3A_399 = arith.constant 0 : index
    %swap3A_400 = vector.load %arg1[%swap3A_397, %swap3A_398, %swap3A_399] : memref<128x16x3968xf32, #tpu.memory_space<vmem>>, vector<1x16x3968xf32>
    %swap3A_401 = vector.shape_cast %swap3A_400 : vector<1x16x3968xf32> to vector<16x3968xf32>
    %swap3A_402 = vector.shape_cast %get3A_396 : vector<16x3968xf32> to vector<1x16x3968xf32>
    tpu.vector_store %arg1[%swap3A_397, %swap3A_398, %swap3A_399], %swap3A_402 {strides = array<i32>} : memref<128x16x3968xf32, #tpu.memory_space<vmem>>, vector<1x16x3968xf32>,
    %get3A_403 = arith.constant 0 : index
    %get3A_404 = arith.constant 83 : index
    %get3A_405 = vector.load %arg0[%get3A_403, %get3A_404] : memref<16x4096xf32, #tpu.memory_space<vmem>>, vector<16x3968xf32>
    %swap3A_406 = arith.constant 45 : index
    %swap3A_407 = arith.constant 0 : index
    %swap3A_408 = arith.constant 0 : index
    %swap3A_409 = vector.load %arg1[%swap3A_406, %swap3A_407, %swap3A_408] : memref<128x16x3968xf32, #tpu.memory_space<vmem>>, vector<1x16x3968xf32>
    %swap3A_410 = vector.shape_cast %swap3A_409 : vector<1x16x3968xf32> to vector<16x3968xf32>
    %swap3A_411 = vector.shape_cast %get3A_405 : vector<16x3968xf32> to vector<1x16x3968xf32>
    tpu.vector_store %arg1[%swap3A_406, %swap3A_407, %swap3A_408], %swap3A_411 {strides = array<i32>} : memref<128x16x3968xf32, #tpu.memory_space<vmem>>, vector<1x16x3968xf32>,
    %get3A_412 = arith.constant 0 : index
    %get3A_413 = arith.constant 82 : index
    %get3A_414 = vector.load %arg0[%get3A_412, %get3A_413] : memref<16x4096xf32, #tpu.memory_space<vmem>>, vector<16x3968xf32>
    %swap3A_415 = arith.constant 46 : index
    %swap3A_416 = arith.constant 0 : index
    %swap3A_417 = arith.constant 0 : index
    %swap3A_418 = vector.load %arg1[%swap3A_415, %swap3A_416, %swap3A_417] : memref<128x16x3968xf32, #tpu.memory_space<vmem>>, vector<1x16x3968xf32>
    %swap3A_419 = vector.shape_cast %swap3A_418 : vector<1x16x3968xf32> to vector<16x3968xf32>
    %swap3A_420 = vector.shape_cast %get3A_414 : vector<16x3968xf32> to vector<1x16x3968xf32>
    tpu.vector_store %arg1[%swap3A_415, %swap3A_416, %swap3A_417], %swap3A_420 {strides = array<i32>} : memref<128x16x3968xf32, #tpu.memory_space<vmem>>, vector<1x16x3968xf32>,
    %get3A_421 = arith.constant 0 : index
    %get3A_422 = arith.constant 81 : index
    %get3A_423 = vector.load %arg0[%get3A_421, %get3A_422] : memref<16x4096xf32, #tpu.memory_space<vmem>>, vector<16x3968xf32>
    %swap3A_424 = arith.constant 47 : index
    %swap3A_425 = arith.constant 0 : index
    %swap3A_426 = arith.constant 0 : index
    %swap3A_427 = vector.load %arg1[%swap3A_424, %swap3A_425, %swap3A_426] : memref<128x16x3968xf32, #tpu.memory_space<vmem>>, vector<1x16x3968xf32>
    %swap3A_428 = vector.shape_cast %swap3A_427 : vector<1x16x3968xf32> to vector<16x3968xf32>
    %swap3A_429 = vector.shape_cast %get3A_423 : vector<16x3968xf32> to vector<1x16x3968xf32>
    tpu.vector_store %arg1[%swap3A_424, %swap3A_425, %swap3A_426], %swap3A_429 {strides = array<i32>} : memref<128x16x3968xf32, #tpu.memory_space<vmem>>, vector<1x16x3968xf32>,
    %get3A_430 = arith.constant 0 : index
    %get3A_431 = arith.constant 80 : index
    %get3A_432 = vector.load %arg0[%get3A_430, %get3A_431] : memref<16x4096xf32, #tpu.memory_space<vmem>>, vector<16x3968xf32>
    %swap3A_433 = arith.constant 48 : index
    %swap3A_434 = arith.constant 0 : index
    %swap3A_435 = arith.constant 0 : index
    %swap3A_436 = vector.load %arg1[%swap3A_433, %swap3A_434, %swap3A_435] : memref<128x16x3968xf32, #tpu.memory_space<vmem>>, vector<1x16x3968xf32>
    %swap3A_437 = vector.shape_cast %swap3A_436 : vector<1x16x3968xf32> to vector<16x3968xf32>
    %swap3A_438 = vector.shape_cast %get3A_432 : vector<16x3968xf32> to vector<1x16x3968xf32>
    tpu.vector_store %arg1[%swap3A_433, %swap3A_434, %swap3A_435], %swap3A_438 {strides = array<i32>} : memref<128x16x3968xf32, #tpu.memory_space<vmem>>, vector<1x16x3968xf32>,
    %get3A_439 = arith.constant 0 : index
    %get3A_440 = arith.constant 79 : index
    %get3A_441 = vector.load %arg0[%get3A_439, %get3A_440] : memref<16x4096xf32, #tpu.memory_space<vmem>>, vector<16x3968xf32>
    %swap3A_442 = arith.constant 49 : index
    %swap3A_443 = arith.constant 0 : index
    %swap3A_444 = arith.constant 0 : index
    %swap3A_445 = vector.load %arg1[%swap3A_442, %swap3A_443, %swap3A_444] : memref<128x16x3968xf32, #tpu.memory_space<vmem>>, vector<1x16x3968xf32>
    %swap3A_446 = vector.shape_cast %swap3A_445 : vector<1x16x3968xf32> to vector<16x3968xf32>
    %swap3A_447 = vector.shape_cast %get3A_441 : vector<16x3968xf32> to vector<1x16x3968xf32>
    tpu.vector_store %arg1[%swap3A_442, %swap3A_443, %swap3A_444], %swap3A_447 {strides = array<i32>} : memref<128x16x3968xf32, #tpu.memory_space<vmem>>, vector<1x16x3968xf32>,
    %get3A_448 = arith.constant 0 : index
    %get3A_449 = arith.constant 78 : index
    %get3A_450 = vector.load %arg0[%get3A_448, %get3A_449] : memref<16x4096xf32, #tpu.memory_space<vmem>>, vector<16x3968xf32>
    %swap3A_451 = arith.constant 50 : index
    %swap3A_452 = arith.constant 0 : index
    %swap3A_453 = arith.constant 0 : index
    %swap3A_454 = vector.load %arg1[%swap3A_451, %swap3A_452, %swap3A_453] : memref<128x16x3968xf32, #tpu.memory_space<vmem>>, vector<1x16x3968xf32>
    %swap3A_455 = vector.shape_cast %swap3A_454 : vector<1x16x3968xf32> to vector<16x3968xf32>
    %swap3A_456 = vector.shape_cast %get3A_450 : vector<16x3968xf32> to vector<1x16x3968xf32>
    tpu.vector_store %arg1[%swap3A_451, %swap3A_452, %swap3A_453], %swap3A_456 {strides = array<i32>} : memref<128x16x3968xf32, #tpu.memory_space<vmem>>, vector<1x16x3968xf32>,
    %get3A_457 = arith.constant 0 : index
    %get3A_458 = arith.constant 77 : index
    %get3A_459 = vector.load %arg0[%get3A_457, %get3A_458] : memref<16x4096xf32, #tpu.memory_space<vmem>>, vector<16x3968xf32>
    %swap3A_460 = arith.constant 51 : index
    %swap3A_461 = arith.constant 0 : index
    %swap3A_462 = arith.constant 0 : index
    %swap3A_463 = vector.load %arg1[%swap3A_460, %swap3A_461, %swap3A_462] : memref<128x16x3968xf32, #tpu.memory_space<vmem>>, vector<1x16x3968xf32>
    %swap3A_464 = vector.shape_cast %swap3A_463 : vector<1x16x3968xf32> to vector<16x3968xf32>
    %swap3A_465 = vector.shape_cast %get3A_459 : vector<16x3968xf32> to vector<1x16x3968xf32>
    tpu.vector_store %arg1[%swap3A_460, %swap3A_461, %swap3A_462], %swap3A_465 {strides = array<i32>} : memref<128x16x3968xf32, #tpu.memory_space<vmem>>, vector<1x16x3968xf32>,
    %get3A_466 = arith.constant 0 : index
    %get3A_467 = arith.constant 76 : index
    %get3A_468 = vector.load %arg0[%get3A_466, %get3A_467] : memref<16x4096xf32, #tpu.memory_space<vmem>>, vector<16x3968xf32>
    %swap3A_469 = arith.constant 52 : index
    %swap3A_470 = arith.constant 0 : index
    %swap3A_471 = arith.constant 0 : index
    %swap3A_472 = vector.load %arg1[%swap3A_469, %swap3A_470, %swap3A_471] : memref<128x16x3968xf32, #tpu.memory_space<vmem>>, vector<1x16x3968xf32>
    %swap3A_473 = vector.shape_cast %swap3A_472 : vector<1x16x3968xf32> to vector<16x3968xf32>
    %swap3A_474 = vector.shape_cast %get3A_468 : vector<16x3968xf32> to vector<1x16x3968xf32>
    tpu.vector_store %arg1[%swap3A_469, %swap3A_470, %swap3A_471], %swap3A_474 {strides = array<i32>} : memref<128x16x3968xf32, #tpu.memory_space<vmem>>, vector<1x16x3968xf32>,
    %get3A_475 = arith.constant 0 : index
    %get3A_476 = arith.constant 75 : index
    %get3A_477 = vector.load %arg0[%get3A_475, %get3A_476] : memref<16x4096xf32, #tpu.memory_space<vmem>>, vector<16x3968xf32>
    %swap3A_478 = arith.constant 53 : index
    %swap3A_479 = arith.constant 0 : index
    %swap3A_480 = arith.constant 0 : index
    %swap3A_481 = vector.load %arg1[%swap3A_478, %swap3A_479, %swap3A_480] : memref<128x16x3968xf32, #tpu.memory_space<vmem>>, vector<1x16x3968xf32>
    %swap3A_482 = vector.shape_cast %swap3A_481 : vector<1x16x3968xf32> to vector<16x3968xf32>
    %swap3A_483 = vector.shape_cast %get3A_477 : vector<16x3968xf32> to vector<1x16x3968xf32>
    tpu.vector_store %arg1[%swap3A_478, %swap3A_479, %swap3A_480], %swap3A_483 {strides = array<i32>} : memref<128x16x3968xf32, #tpu.memory_space<vmem>>, vector<1x16x3968xf32>,
    %get3A_484 = arith.constant 0 : index
    %get3A_485 = arith.constant 74 : index
    %get3A_486 = vector.load %arg0[%get3A_484, %get3A_485] : memref<16x4096xf32, #tpu.memory_space<vmem>>, vector<16x3968xf32>
    %swap3A_487 = arith.constant 54 : index
    %swap3A_488 = arith.constant 0 : index
    %swap3A_489 = arith.constant 0 : index
    %swap3A_490 = vector.load %arg1[%swap3A_487, %swap3A_488, %swap3A_489] : memref<128x16x3968xf32, #tpu.memory_space<vmem>>, vector<1x16x3968xf32>
    %swap3A_491 = vector.shape_cast %swap3A_490 : vector<1x16x3968xf32> to vector<16x3968xf32>
    %swap3A_492 = vector.shape_cast %get3A_486 : vector<16x3968xf32> to vector<1x16x3968xf32>
    tpu.vector_store %arg1[%swap3A_487, %swap3A_488, %swap3A_489], %swap3A_492 {strides = array<i32>} : memref<128x16x3968xf32, #tpu.memory_space<vmem>>, vector<1x16x3968xf32>,
    %get3A_493 = arith.constant 0 : index
    %get3A_494 = arith.constant 73 : index
    %get3A_495 = vector.load %arg0[%get3A_493, %get3A_494] : memref<16x4096xf32, #tpu.memory_space<vmem>>, vector<16x3968xf32>
    %swap3A_496 = arith.constant 55 : index
    %swap3A_497 = arith.constant 0 : index
    %swap3A_498 = arith.constant 0 : index
    %swap3A_499 = vector.load %arg1[%swap3A_496, %swap3A_497, %swap3A_498] : memref<128x16x3968xf32, #tpu.memory_space<vmem>>, vector<1x16x3968xf32>
    %swap3A_500 = vector.shape_cast %swap3A_499 : vector<1x16x3968xf32> to vector<16x3968xf32>
    %swap3A_501 = vector.shape_cast %get3A_495 : vector<16x3968xf32> to vector<1x16x3968xf32>
    tpu.vector_store %arg1[%swap3A_496, %swap3A_497, %swap3A_498], %swap3A_501 {strides = array<i32>} : memref<128x16x3968xf32, #tpu.memory_space<vmem>>, vector<1x16x3968xf32>,
    %get3A_502 = arith.constant 0 : index
    %get3A_503 = arith.constant 72 : index
    %get3A_504 = vector.load %arg0[%get3A_502, %get3A_503] : memref<16x4096xf32, #tpu.memory_space<vmem>>, vector<16x3968xf32>
    %swap3A_505 = arith.constant 56 : index
    %swap3A_506 = arith.constant 0 : index
    %swap3A_507 = arith.constant 0 : index
    %swap3A_508 = vector.load %arg1[%swap3A_505, %swap3A_506, %swap3A_507] : memref<128x16x3968xf32, #tpu.memory_space<vmem>>, vector<1x16x3968xf32>
    %swap3A_509 = vector.shape_cast %swap3A_508 : vector<1x16x3968xf32> to vector<16x3968xf32>
    %swap3A_510 = vector.shape_cast %get3A_504 : vector<16x3968xf32> to vector<1x16x3968xf32>
    tpu.vector_store %arg1[%swap3A_505, %swap3A_506, %swap3A_507], %swap3A_510 {strides = array<i32>} : memref<128x16x3968xf32, #tpu.memory_space<vmem>>, vector<1x16x3968xf32>,
    %get3A_511 = arith.constant 0 : index
    %get3A_512 = arith.constant 71 : index
    %get3A_513 = vector.load %arg0[%get3A_511, %get3A_512] : memref<16x4096xf32, #tpu.memory_space<vmem>>, vector<16x3968xf32>
    %swap3A_514 = arith.constant 57 : index
    %swap3A_515 = arith.constant 0 : index
    %swap3A_516 = arith.constant 0 : index
    %swap3A_517 = vector.load %arg1[%swap3A_514, %swap3A_515, %swap3A_516] : memref<128x16x3968xf32, #tpu.memory_space<vmem>>, vector<1x16x3968xf32>
    %swap3A_518 = vector.shape_cast %swap3A_517 : vector<1x16x3968xf32> to vector<16x3968xf32>
    %swap3A_519 = vector.shape_cast %get3A_513 : vector<16x3968xf32> to vector<1x16x3968xf32>
    tpu.vector_store %arg1[%swap3A_514, %swap3A_515, %swap3A_516], %swap3A_519 {strides = array<i32>} : memref<128x16x3968xf32, #tpu.memory_space<vmem>>, vector<1x16x3968xf32>,
    %get3A_520 = arith.constant 0 : index
    %get3A_521 = arith.constant 70 : index
    %get3A_522 = vector.load %arg0[%get3A_520, %get3A_521] : memref<16x4096xf32, #tpu.memory_space<vmem>>, vector<16x3968xf32>
    %swap3A_523 = arith.constant 58 : index
    %swap3A_524 = arith.constant 0 : index
    %swap3A_525 = arith.constant 0 : index
    %swap3A_526 = vector.load %arg1[%swap3A_523, %swap3A_524, %swap3A_525] : memref<128x16x3968xf32, #tpu.memory_space<vmem>>, vector<1x16x3968xf32>
    %swap3A_527 = vector.shape_cast %swap3A_526 : vector<1x16x3968xf32> to vector<16x3968xf32>
    %swap3A_528 = vector.shape_cast %get3A_522 : vector<16x3968xf32> to vector<1x16x3968xf32>
    tpu.vector_store %arg1[%swap3A_523, %swap3A_524, %swap3A_525], %swap3A_528 {strides = array<i32>} : memref<128x16x3968xf32, #tpu.memory_space<vmem>>, vector<1x16x3968xf32>,
    %get3A_529 = arith.constant 0 : index
    %get3A_530 = arith.constant 69 : index
    %get3A_531 = vector.load %arg0[%get3A_529, %get3A_530] : memref<16x4096xf32, #tpu.memory_space<vmem>>, vector<16x3968xf32>
    %swap3A_532 = arith.constant 59 : index
    %swap3A_533 = arith.constant 0 : index
    %swap3A_534 = arith.constant 0 : index
    %swap3A_535 = vector.load %arg1[%swap3A_532, %swap3A_533, %swap3A_534] : memref<128x16x3968xf32, #tpu.memory_space<vmem>>, vector<1x16x3968xf32>
    %swap3A_536 = vector.shape_cast %swap3A_535 : vector<1x16x3968xf32> to vector<16x3968xf32>
    %swap3A_537 = vector.shape_cast %get3A_531 : vector<16x3968xf32> to vector<1x16x3968xf32>
    tpu.vector_store %arg1[%swap3A_532, %swap3A_533, %swap3A_534], %swap3A_537 {strides = array<i32>} : memref<128x16x3968xf32, #tpu.memory_space<vmem>>, vector<1x16x3968xf32>,
    %get3A_538 = arith.constant 0 : index
    %get3A_539 = arith.constant 68 : index
    %get3A_540 = vector.load %arg0[%get3A_538, %get3A_539] : memref<16x4096xf32, #tpu.memory_space<vmem>>, vector<16x3968xf32>
    %swap3A_541 = arith.constant 60 : index
    %swap3A_542 = arith.constant 0 : index
    %swap3A_543 = arith.constant 0 : index
    %swap3A_544 = vector.load %arg1[%swap3A_541, %swap3A_542, %swap3A_543] : memref<128x16x3968xf32, #tpu.memory_space<vmem>>, vector<1x16x3968xf32>
    %swap3A_545 = vector.shape_cast %swap3A_544 : vector<1x16x3968xf32> to vector<16x3968xf32>
    %swap3A_546 = vector.shape_cast %get3A_540 : vector<16x3968xf32> to vector<1x16x3968xf32>
    tpu.vector_store %arg1[%swap3A_541, %swap3A_542, %swap3A_543], %swap3A_546 {strides = array<i32>} : memref<128x16x3968xf32, #tpu.memory_space<vmem>>, vector<1x16x3968xf32>,
    %get3A_547 = arith.constant 0 : index
    %get3A_548 = arith.constant 67 : index
    %get3A_549 = vector.load %arg0[%get3A_547, %get3A_548] : memref<16x4096xf32, #tpu.memory_space<vmem>>, vector<16x3968xf32>
    %swap3A_550 = arith.constant 61 : index
    %swap3A_551 = arith.constant 0 : index
    %swap3A_552 = arith.constant 0 : index
    %swap3A_553 = vector.load %arg1[%swap3A_550, %swap3A_551, %swap3A_552] : memref<128x16x3968xf32, #tpu.memory_space<vmem>>, vector<1x16x3968xf32>
    %swap3A_554 = vector.shape_cast %swap3A_553 : vector<1x16x3968xf32> to vector<16x3968xf32>
    %swap3A_555 = vector.shape_cast %get3A_549 : vector<16x3968xf32> to vector<1x16x3968xf32>
    tpu.vector_store %arg1[%swap3A_550, %swap3A_551, %swap3A_552], %swap3A_555 {strides = array<i32>} : memref<128x16x3968xf32, #tpu.memory_space<vmem>>, vector<1x16x3968xf32>,
    %get3A_556 = arith.constant 0 : index
    %get3A_557 = arith.constant 66 : index
    %get3A_558 = vector.load %arg0[%get3A_556, %get3A_557] : memref<16x4096xf32, #tpu.memory_space<vmem>>, vector<16x3968xf32>
    %swap3A_559 = arith.constant 62 : index
    %swap3A_560 = arith.constant 0 : index
    %swap3A_561 = arith.constant 0 : index
    %swap3A_562 = vector.load %arg1[%swap3A_559, %swap3A_560, %swap3A_561] : memref<128x16x3968xf32, #tpu.memory_space<vmem>>, vector<1x16x3968xf32>
    %swap3A_563 = vector.shape_cast %swap3A_562 : vector<1x16x3968xf32> to vector<16x3968xf32>
    %swap3A_564 = vector.shape_cast %get3A_558 : vector<16x3968xf32> to vector<1x16x3968xf32>
    tpu.vector_store %arg1[%swap3A_559, %swap3A_560, %swap3A_561], %swap3A_564 {strides = array<i32>} : memref<128x16x3968xf32, #tpu.memory_space<vmem>>, vector<1x16x3968xf32>,
    %get3A_565 = arith.constant 0 : index
    %get3A_566 = arith.constant 65 : index
    %get3A_567 = vector.load %arg0[%get3A_565, %get3A_566] : memref<16x4096xf32, #tpu.memory_space<vmem>>, vector<16x3968xf32>
    %swap3A_568 = arith.constant 63 : index
    %swap3A_569 = arith.constant 0 : index
    %swap3A_570 = arith.constant 0 : index
    %swap3A_571 = vector.load %arg1[%swap3A_568, %swap3A_569, %swap3A_570] : memref<128x16x3968xf32, #tpu.memory_space<vmem>>, vector<1x16x3968xf32>
    %swap3A_572 = vector.shape_cast %swap3A_571 : vector<1x16x3968xf32> to vector<16x3968xf32>
    %swap3A_573 = vector.shape_cast %get3A_567 : vector<16x3968xf32> to vector<1x16x3968xf32>
    tpu.vector_store %arg1[%swap3A_568, %swap3A_569, %swap3A_570], %swap3A_573 {strides = array<i32>} : memref<128x16x3968xf32, #tpu.memory_space<vmem>>, vector<1x16x3968xf32>,
    %get3A_574 = arith.constant 0 : index
    %get3A_575 = arith.constant 64 : index
    %get3A_576 = vector.load %arg0[%get3A_574, %get3A_575] : memref<16x4096xf32, #tpu.memory_space<vmem>>, vector<16x3968xf32>
    %swap3A_577 = arith.constant 64 : index
    %swap3A_578 = arith.constant 0 : index
    %swap3A_579 = arith.constant 0 : index
    %swap3A_580 = vector.load %arg1[%swap3A_577, %swap3A_578, %swap3A_579] : memref<128x16x3968xf32, #tpu.memory_space<vmem>>, vector<1x16x3968xf32>
    %swap3A_581 = vector.shape_cast %swap3A_580 : vector<1x16x3968xf32> to vector<16x3968xf32>
    %swap3A_582 = vector.shape_cast %get3A_576 : vector<16x3968xf32> to vector<1x16x3968xf32>
    tpu.vector_store %arg1[%swap3A_577, %swap3A_578, %swap3A_579], %swap3A_582 {strides = array<i32>} : memref<128x16x3968xf32, #tpu.memory_space<vmem>>, vector<1x16x3968xf32>,
    %get3A_583 = arith.constant 0 : index
    %get3A_584 = arith.constant 63 : index
    %get3A_585 = vector.load %arg0[%get3A_583, %get3A_584] : memref<16x4096xf32, #tpu.memory_space<vmem>>, vector<16x3968xf32>
    %swap3A_586 = arith.constant 65 : index
    %swap3A_587 = arith.constant 0 : index
    %swap3A_588 = arith.constant 0 : index
    %swap3A_589 = vector.load %arg1[%swap3A_586, %swap3A_587, %swap3A_588] : memref<128x16x3968xf32, #tpu.memory_space<vmem>>, vector<1x16x3968xf32>
    %swap3A_590 = vector.shape_cast %swap3A_589 : vector<1x16x3968xf32> to vector<16x3968xf32>
    %swap3A_591 = vector.shape_cast %get3A_585 : vector<16x3968xf32> to vector<1x16x3968xf32>
    tpu.vector_store %arg1[%swap3A_586, %swap3A_587, %swap3A_588], %swap3A_591 {strides = array<i32>} : memref<128x16x3968xf32, #tpu.memory_space<vmem>>, vector<1x16x3968xf32>,
    %get3A_592 = arith.constant 0 : index
    %get3A_593 = arith.constant 62 : index
    %get3A_594 = vector.load %arg0[%get3A_592, %get3A_593] : memref<16x4096xf32, #tpu.memory_space<vmem>>, vector<16x3968xf32>
    %swap3A_595 = arith.constant 66 : index
    %swap3A_596 = arith.constant 0 : index
    %swap3A_597 = arith.constant 0 : index
    %swap3A_598 = vector.load %arg1[%swap3A_595, %swap3A_596, %swap3A_597] : memref<128x16x3968xf32, #tpu.memory_space<vmem>>, vector<1x16x3968xf32>
    %swap3A_599 = vector.shape_cast %swap3A_598 : vector<1x16x3968xf32> to vector<16x3968xf32>
    %swap3A_600 = vector.shape_cast %get3A_594 : vector<16x3968xf32> to vector<1x16x3968xf32>
    tpu.vector_store %arg1[%swap3A_595, %swap3A_596, %swap3A_597], %swap3A_600 {strides = array<i32>} : memref<128x16x3968xf32, #tpu.memory_space<vmem>>, vector<1x16x3968xf32>,
    %get3A_601 = arith.constant 0 : index
    %get3A_602 = arith.constant 61 : index
    %get3A_603 = vector.load %arg0[%get3A_601, %get3A_602] : memref<16x4096xf32, #tpu.memory_space<vmem>>, vector<16x3968xf32>
    %swap3A_604 = arith.constant 67 : index
    %swap3A_605 = arith.constant 0 : index
    %swap3A_606 = arith.constant 0 : index
    %swap3A_607 = vector.load %arg1[%swap3A_604, %swap3A_605, %swap3A_606] : memref<128x16x3968xf32, #tpu.memory_space<vmem>>, vector<1x16x3968xf32>
    %swap3A_608 = vector.shape_cast %swap3A_607 : vector<1x16x3968xf32> to vector<16x3968xf32>
    %swap3A_609 = vector.shape_cast %get3A_603 : vector<16x3968xf32> to vector<1x16x3968xf32>
    tpu.vector_store %arg1[%swap3A_604, %swap3A_605, %swap3A_606], %swap3A_609 {strides = array<i32>} : memref<128x16x3968xf32, #tpu.memory_space<vmem>>, vector<1x16x3968xf32>,
    %get3A_610 = arith.constant 0 : index
    %get3A_611 = arith.constant 60 : index
    %get3A_612 = vector.load %arg0[%get3A_610, %get3A_611] : memref<16x4096xf32, #tpu.memory_space<vmem>>, vector<16x3968xf32>
    %swap3A_613 = arith.constant 68 : index
    %swap3A_614 = arith.constant 0 : index
    %swap3A_615 = arith.constant 0 : index
    %swap3A_616 = vector.load %arg1[%swap3A_613, %swap3A_614, %swap3A_615] : memref<128x16x3968xf32, #tpu.memory_space<vmem>>, vector<1x16x3968xf32>
    %swap3A_617 = vector.shape_cast %swap3A_616 : vector<1x16x3968xf32> to vector<16x3968xf32>
    %swap3A_618 = vector.shape_cast %get3A_612 : vector<16x3968xf32> to vector<1x16x3968xf32>
    tpu.vector_store %arg1[%swap3A_613, %swap3A_614, %swap3A_615], %swap3A_618 {strides = array<i32>} : memref<128x16x3968xf32, #tpu.memory_space<vmem>>, vector<1x16x3968xf32>,
    %get3A_619 = arith.constant 0 : index
    %get3A_620 = arith.constant 59 : index
    %get3A_621 = vector.load %arg0[%get3A_619, %get3A_620] : memref<16x4096xf32, #tpu.memory_space<vmem>>, vector<16x3968xf32>
    %swap3A_622 = arith.constant 69 : index
    %swap3A_623 = arith.constant 0 : index
    %swap3A_624 = arith.constant 0 : index
    %swap3A_625 = vector.load %arg1[%swap3A_622, %swap3A_623, %swap3A_624] : memref<128x16x3968xf32, #tpu.memory_space<vmem>>, vector<1x16x3968xf32>
    %swap3A_626 = vector.shape_cast %swap3A_625 : vector<1x16x3968xf32> to vector<16x3968xf32>
    %swap3A_627 = vector.shape_cast %get3A_621 : vector<16x3968xf32> to vector<1x16x3968xf32>
    tpu.vector_store %arg1[%swap3A_622, %swap3A_623, %swap3A_624], %swap3A_627 {strides = array<i32>} : memref<128x16x3968xf32, #tpu.memory_space<vmem>>, vector<1x16x3968xf32>,
    %get3A_628 = arith.constant 0 : index
    %get3A_629 = arith.constant 58 : index
    %get3A_630 = vector.load %arg0[%get3A_628, %get3A_629] : memref<16x4096xf32, #tpu.memory_space<vmem>>, vector<16x3968xf32>
    %swap3A_631 = arith.constant 70 : index
    %swap3A_632 = arith.constant 0 : index
    %swap3A_633 = arith.constant 0 : index
    %swap3A_634 = vector.load %arg1[%swap3A_631, %swap3A_632, %swap3A_633] : memref<128x16x3968xf32, #tpu.memory_space<vmem>>, vector<1x16x3968xf32>
    %swap3A_635 = vector.shape_cast %swap3A_634 : vector<1x16x3968xf32> to vector<16x3968xf32>
    %swap3A_636 = vector.shape_cast %get3A_630 : vector<16x3968xf32> to vector<1x16x3968xf32>
    tpu.vector_store %arg1[%swap3A_631, %swap3A_632, %swap3A_633], %swap3A_636 {strides = array<i32>} : memref<128x16x3968xf32, #tpu.memory_space<vmem>>, vector<1x16x3968xf32>,
    %get3A_637 = arith.constant 0 : index
    %get3A_638 = arith.constant 57 : index
    %get3A_639 = vector.load %arg0[%get3A_637, %get3A_638] : memref<16x4096xf32, #tpu.memory_space<vmem>>, vector<16x3968xf32>
    %swap3A_640 = arith.constant 71 : index
    %swap3A_641 = arith.constant 0 : index
    %swap3A_642 = arith.constant 0 : index
    %swap3A_643 = vector.load %arg1[%swap3A_640, %swap3A_641, %swap3A_642] : memref<128x16x3968xf32, #tpu.memory_space<vmem>>, vector<1x16x3968xf32>
    %swap3A_644 = vector.shape_cast %swap3A_643 : vector<1x16x3968xf32> to vector<16x3968xf32>
    %swap3A_645 = vector.shape_cast %get3A_639 : vector<16x3968xf32> to vector<1x16x3968xf32>
    tpu.vector_store %arg1[%swap3A_640, %swap3A_641, %swap3A_642], %swap3A_645 {strides = array<i32>} : memref<128x16x3968xf32, #tpu.memory_space<vmem>>, vector<1x16x3968xf32>,
    %get3A_646 = arith.constant 0 : index
    %get3A_647 = arith.constant 56 : index
    %get3A_648 = vector.load %arg0[%get3A_646, %get3A_647] : memref<16x4096xf32, #tpu.memory_space<vmem>>, vector<16x3968xf32>
    %swap3A_649 = arith.constant 72 : index
    %swap3A_650 = arith.constant 0 : index
    %swap3A_651 = arith.constant 0 : index
    %swap3A_652 = vector.load %arg1[%swap3A_649, %swap3A_650, %swap3A_651] : memref<128x16x3968xf32, #tpu.memory_space<vmem>>, vector<1x16x3968xf32>
    %swap3A_653 = vector.shape_cast %swap3A_652 : vector<1x16x3968xf32> to vector<16x3968xf32>
    %swap3A_654 = vector.shape_cast %get3A_648 : vector<16x3968xf32> to vector<1x16x3968xf32>
    tpu.vector_store %arg1[%swap3A_649, %swap3A_650, %swap3A_651], %swap3A_654 {strides = array<i32>} : memref<128x16x3968xf32, #tpu.memory_space<vmem>>, vector<1x16x3968xf32>,
    %get3A_655 = arith.constant 0 : index
    %get3A_656 = arith.constant 55 : index
    %get3A_657 = vector.load %arg0[%get3A_655, %get3A_656] : memref<16x4096xf32, #tpu.memory_space<vmem>>, vector<16x3968xf32>
    %swap3A_658 = arith.constant 73 : index
    %swap3A_659 = arith.constant 0 : index
    %swap3A_660 = arith.constant 0 : index
    %swap3A_661 = vector.load %arg1[%swap3A_658, %swap3A_659, %swap3A_660] : memref<128x16x3968xf32, #tpu.memory_space<vmem>>, vector<1x16x3968xf32>
    %swap3A_662 = vector.shape_cast %swap3A_661 : vector<1x16x3968xf32> to vector<16x3968xf32>
    %swap3A_663 = vector.shape_cast %get3A_657 : vector<16x3968xf32> to vector<1x16x3968xf32>
    tpu.vector_store %arg1[%swap3A_658, %swap3A_659, %swap3A_660], %swap3A_663 {strides = array<i32>} : memref<128x16x3968xf32, #tpu.memory_space<vmem>>, vector<1x16x3968xf32>,
    %get3A_664 = arith.constant 0 : index
    %get3A_665 = arith.constant 54 : index
    %get3A_666 = vector.load %arg0[%get3A_664, %get3A_665] : memref<16x4096xf32, #tpu.memory_space<vmem>>, vector<16x3968xf32>
    %swap3A_667 = arith.constant 74 : index
    %swap3A_668 = arith.constant 0 : index
    %swap3A_669 = arith.constant 0 : index
    %swap3A_670 = vector.load %arg1[%swap3A_667, %swap3A_668, %swap3A_669] : memref<128x16x3968xf32, #tpu.memory_space<vmem>>, vector<1x16x3968xf32>
    %swap3A_671 = vector.shape_cast %swap3A_670 : vector<1x16x3968xf32> to vector<16x3968xf32>
    %swap3A_672 = vector.shape_cast %get3A_666 : vector<16x3968xf32> to vector<1x16x3968xf32>
    tpu.vector_store %arg1[%swap3A_667, %swap3A_668, %swap3A_669], %swap3A_672 {strides = array<i32>} : memref<128x16x3968xf32, #tpu.memory_space<vmem>>, vector<1x16x3968xf32>,
    %get3A_673 = arith.constant 0 : index
    %get3A_674 = arith.constant 53 : index
    %get3A_675 = vector.load %arg0[%get3A_673, %get3A_674] : memref<16x4096xf32, #tpu.memory_space<vmem>>, vector<16x3968xf32>
    %swap3A_676 = arith.constant 75 : index
    %swap3A_677 = arith.constant 0 : index
    %swap3A_678 = arith.constant 0 : index
    %swap3A_679 = vector.load %arg1[%swap3A_676, %swap3A_677, %swap3A_678] : memref<128x16x3968xf32, #tpu.memory_space<vmem>>, vector<1x16x3968xf32>
    %swap3A_680 = vector.shape_cast %swap3A_679 : vector<1x16x3968xf32> to vector<16x3968xf32>
    %swap3A_681 = vector.shape_cast %get3A_675 : vector<16x3968xf32> to vector<1x16x3968xf32>
    tpu.vector_store %arg1[%swap3A_676, %swap3A_677, %swap3A_678], %swap3A_681 {strides = array<i32>} : memref<128x16x3968xf32, #tpu.memory_space<vmem>>, vector<1x16x3968xf32>,
    %get3A_682 = arith.constant 0 : index
    %get3A_683 = arith.constant 52 : index
    %get3A_684 = vector.load %arg0[%get3A_682, %get3A_683] : memref<16x4096xf32, #tpu.memory_space<vmem>>, vector<16x3968xf32>
    %swap3A_685 = arith.constant 76 : index
    %swap3A_686 = arith.constant 0 : index
    %swap3A_687 = arith.constant 0 : index
    %swap3A_688 = vector.load %arg1[%swap3A_685, %swap3A_686, %swap3A_687] : memref<128x16x3968xf32, #tpu.memory_space<vmem>>, vector<1x16x3968xf32>
    %swap3A_689 = vector.shape_cast %swap3A_688 : vector<1x16x3968xf32> to vector<16x3968xf32>
    %swap3A_690 = vector.shape_cast %get3A_684 : vector<16x3968xf32> to vector<1x16x3968xf32>
    tpu.vector_store %arg1[%swap3A_685, %swap3A_686, %swap3A_687], %swap3A_690 {strides = array<i32>} : memref<128x16x3968xf32, #tpu.memory_space<vmem>>, vector<1x16x3968xf32>,
    %get3A_691 = arith.constant 0 : index
    %get3A_692 = arith.constant 51 : index
    %get3A_693 = vector.load %arg0[%get3A_691, %get3A_692] : memref<16x4096xf32, #tpu.memory_space<vmem>>, vector<16x3968xf32>
    %swap3A_694 = arith.constant 77 : index
    %swap3A_695 = arith.constant 0 : index
    %swap3A_696 = arith.constant 0 : index
    %swap3A_697 = vector.load %arg1[%swap3A_694, %swap3A_695, %swap3A_696] : memref<128x16x3968xf32, #tpu.memory_space<vmem>>, vector<1x16x3968xf32>
    %swap3A_698 = vector.shape_cast %swap3A_697 : vector<1x16x3968xf32> to vector<16x3968xf32>
    %swap3A_699 = vector.shape_cast %get3A_693 : vector<16x3968xf32> to vector<1x16x3968xf32>
    tpu.vector_store %arg1[%swap3A_694, %swap3A_695, %swap3A_696], %swap3A_699 {strides = array<i32>} : memref<128x16x3968xf32, #tpu.memory_space<vmem>>, vector<1x16x3968xf32>,
    %get3A_700 = arith.constant 0 : index
    %get3A_701 = arith.constant 50 : index
    %get3A_702 = vector.load %arg0[%get3A_700, %get3A_701] : memref<16x4096xf32, #tpu.memory_space<vmem>>, vector<16x3968xf32>
    %swap3A_703 = arith.constant 78 : index
    %swap3A_704 = arith.constant 0 : index
    %swap3A_705 = arith.constant 0 : index
    %swap3A_706 = vector.load %arg1[%swap3A_703, %swap3A_704, %swap3A_705] : memref<128x16x3968xf32, #tpu.memory_space<vmem>>, vector<1x16x3968xf32>
    %swap3A_707 = vector.shape_cast %swap3A_706 : vector<1x16x3968xf32> to vector<16x3968xf32>
    %swap3A_708 = vector.shape_cast %get3A_702 : vector<16x3968xf32> to vector<1x16x3968xf32>
    tpu.vector_store %arg1[%swap3A_703, %swap3A_704, %swap3A_705], %swap3A_708 {strides = array<i32>} : memref<128x16x3968xf32, #tpu.memory_space<vmem>>, vector<1x16x3968xf32>,
    %get3A_709 = arith.constant 0 : index
    %get3A_710 = arith.constant 49 : index
    %get3A_711 = vector.load %arg0[%get3A_709, %get3A_710] : memref<16x4096xf32, #tpu.memory_space<vmem>>, vector<16x3968xf32>
    %swap3A_712 = arith.constant 79 : index
    %swap3A_713 = arith.constant 0 : index
    %swap3A_714 = arith.constant 0 : index
    %swap3A_715 = vector.load %arg1[%swap3A_712, %swap3A_713, %swap3A_714] : memref<128x16x3968xf32, #tpu.memory_space<vmem>>, vector<1x16x3968xf32>
    %swap3A_716 = vector.shape_cast %swap3A_715 : vector<1x16x3968xf32> to vector<16x3968xf32>
    %swap3A_717 = vector.shape_cast %get3A_711 : vector<16x3968xf32> to vector<1x16x3968xf32>
    tpu.vector_store %arg1[%swap3A_712, %swap3A_713, %swap3A_714], %swap3A_717 {strides = array<i32>} : memref<128x16x3968xf32, #tpu.memory_space<vmem>>, vector<1x16x3968xf32>,
    %get3A_718 = arith.constant 0 : index
    %get3A_719 = arith.constant 48 : index
    %get3A_720 = vector.load %arg0[%get3A_718, %get3A_719] : memref<16x4096xf32, #tpu.memory_space<vmem>>, vector<16x3968xf32>
    %swap3A_721 = arith.constant 80 : index
    %swap3A_722 = arith.constant 0 : index
    %swap3A_723 = arith.constant 0 : index
    %swap3A_724 = vector.load %arg1[%swap3A_721, %swap3A_722, %swap3A_723] : memref<128x16x3968xf32, #tpu.memory_space<vmem>>, vector<1x16x3968xf32>
    %swap3A_725 = vector.shape_cast %swap3A_724 : vector<1x16x3968xf32> to vector<16x3968xf32>
    %swap3A_726 = vector.shape_cast %get3A_720 : vector<16x3968xf32> to vector<1x16x3968xf32>
    tpu.vector_store %arg1[%swap3A_721, %swap3A_722, %swap3A_723], %swap3A_726 {strides = array<i32>} : memref<128x16x3968xf32, #tpu.memory_space<vmem>>, vector<1x16x3968xf32>,
    %get3A_727 = arith.constant 0 : index
    %get3A_728 = arith.constant 47 : index
    %get3A_729 = vector.load %arg0[%get3A_727, %get3A_728] : memref<16x4096xf32, #tpu.memory_space<vmem>>, vector<16x3968xf32>
    %swap3A_730 = arith.constant 81 : index
    %swap3A_731 = arith.constant 0 : index
    %swap3A_732 = arith.constant 0 : index
    %swap3A_733 = vector.load %arg1[%swap3A_730, %swap3A_731, %swap3A_732] : memref<128x16x3968xf32, #tpu.memory_space<vmem>>, vector<1x16x3968xf32>
    %swap3A_734 = vector.shape_cast %swap3A_733 : vector<1x16x3968xf32> to vector<16x3968xf32>
    %swap3A_735 = vector.shape_cast %get3A_729 : vector<16x3968xf32> to vector<1x16x3968xf32>
    tpu.vector_store %arg1[%swap3A_730, %swap3A_731, %swap3A_732], %swap3A_735 {strides = array<i32>} : memref<128x16x3968xf32, #tpu.memory_space<vmem>>, vector<1x16x3968xf32>,
    %get3A_736 = arith.constant 0 : index
    %get3A_737 = arith.constant 46 : index
    %get3A_738 = vector.load %arg0[%get3A_736, %get3A_737] : memref<16x4096xf32, #tpu.memory_space<vmem>>, vector<16x3968xf32>
    %swap3A_739 = arith.constant 82 : index
    %swap3A_740 = arith.constant 0 : index
    %swap3A_741 = arith.constant 0 : index
    %swap3A_742 = vector.load %arg1[%swap3A_739, %swap3A_740, %swap3A_741] : memref<128x16x3968xf32, #tpu.memory_space<vmem>>, vector<1x16x3968xf32>
    %swap3A_743 = vector.shape_cast %swap3A_742 : vector<1x16x3968xf32> to vector<16x3968xf32>
    %swap3A_744 = vector.shape_cast %get3A_738 : vector<16x3968xf32> to vector<1x16x3968xf32>
    tpu.vector_store %arg1[%swap3A_739, %swap3A_740, %swap3A_741], %swap3A_744 {strides = array<i32>} : memref<128x16x3968xf32, #tpu.memory_space<vmem>>, vector<1x16x3968xf32>,
    %get3A_745 = arith.constant 0 : index
    %get3A_746 = arith.constant 45 : index
    %get3A_747 = vector.load %arg0[%get3A_745, %get3A_746] : memref<16x4096xf32, #tpu.memory_space<vmem>>, vector<16x3968xf32>
    %swap3A_748 = arith.constant 83 : index
    %swap3A_749 = arith.constant 0 : index
    %swap3A_750 = arith.constant 0 : index
    %swap3A_751 = vector.load %arg1[%swap3A_748, %swap3A_749, %swap3A_750] : memref<128x16x3968xf32, #tpu.memory_space<vmem>>, vector<1x16x3968xf32>
    %swap3A_752 = vector.shape_cast %swap3A_751 : vector<1x16x3968xf32> to vector<16x3968xf32>
    %swap3A_753 = vector.shape_cast %get3A_747 : vector<16x3968xf32> to vector<1x16x3968xf32>
    tpu.vector_store %arg1[%swap3A_748, %swap3A_749, %swap3A_750], %swap3A_753 {strides = array<i32>} : memref<128x16x3968xf32, #tpu.memory_space<vmem>>, vector<1x16x3968xf32>,
    %get3A_754 = arith.constant 0 : index
    %get3A_755 = arith.constant 44 : index
    %get3A_756 = vector.load %arg0[%get3A_754, %get3A_755] : memref<16x4096xf32, #tpu.memory_space<vmem>>, vector<16x3968xf32>
    %swap3A_757 = arith.constant 84 : index
    %swap3A_758 = arith.constant 0 : index
    %swap3A_759 = arith.constant 0 : index
    %swap3A_760 = vector.load %arg1[%swap3A_757, %swap3A_758, %swap3A_759] : memref<128x16x3968xf32, #tpu.memory_space<vmem>>, vector<1x16x3968xf32>
    %swap3A_761 = vector.shape_cast %swap3A_760 : vector<1x16x3968xf32> to vector<16x3968xf32>
    %swap3A_762 = vector.shape_cast %get3A_756 : vector<16x3968xf32> to vector<1x16x3968xf32>
    tpu.vector_store %arg1[%swap3A_757, %swap3A_758, %swap3A_759], %swap3A_762 {strides = array<i32>} : memref<128x16x3968xf32, #tpu.memory_space<vmem>>, vector<1x16x3968xf32>,
    %get3A_763 = arith.constant 0 : index
    %get3A_764 = arith.constant 43 : index
    %get3A_765 = vector.load %arg0[%get3A_763, %get3A_764] : memref<16x4096xf32, #tpu.memory_space<vmem>>, vector<16x3968xf32>
    %swap3A_766 = arith.constant 85 : index
    %swap3A_767 = arith.constant 0 : index
    %swap3A_768 = arith.constant 0 : index
    %swap3A_769 = vector.load %arg1[%swap3A_766, %swap3A_767, %swap3A_768] : memref<128x16x3968xf32, #tpu.memory_space<vmem>>, vector<1x16x3968xf32>
    %swap3A_770 = vector.shape_cast %swap3A_769 : vector<1x16x3968xf32> to vector<16x3968xf32>
    %swap3A_771 = vector.shape_cast %get3A_765 : vector<16x3968xf32> to vector<1x16x3968xf32>
    tpu.vector_store %arg1[%swap3A_766, %swap3A_767, %swap3A_768], %swap3A_771 {strides = array<i32>} : memref<128x16x3968xf32, #tpu.memory_space<vmem>>, vector<1x16x3968xf32>,
    %get3A_772 = arith.constant 0 : index
    %get3A_773 = arith.constant 42 : index
    %get3A_774 = vector.load %arg0[%get3A_772, %get3A_773] : memref<16x4096xf32, #tpu.memory_space<vmem>>, vector<16x3968xf32>
    %swap3A_775 = arith.constant 86 : index
    %swap3A_776 = arith.constant 0 : index
    %swap3A_777 = arith.constant 0 : index
    %swap3A_778 = vector.load %arg1[%swap3A_775, %swap3A_776, %swap3A_777] : memref<128x16x3968xf32, #tpu.memory_space<vmem>>, vector<1x16x3968xf32>
    %swap3A_779 = vector.shape_cast %swap3A_778 : vector<1x16x3968xf32> to vector<16x3968xf32>
    %swap3A_780 = vector.shape_cast %get3A_774 : vector<16x3968xf32> to vector<1x16x3968xf32>
    tpu.vector_store %arg1[%swap3A_775, %swap3A_776, %swap3A_777], %swap3A_780 {strides = array<i32>} : memref<128x16x3968xf32, #tpu.memory_space<vmem>>, vector<1x16x3968xf32>,
    %get3A_781 = arith.constant 0 : index
    %get3A_782 = arith.constant 41 : index
    %get3A_783 = vector.load %arg0[%get3A_781, %get3A_782] : memref<16x4096xf32, #tpu.memory_space<vmem>>, vector<16x3968xf32>
    %swap3A_784 = arith.constant 87 : index
    %swap3A_785 = arith.constant 0 : index
    %swap3A_786 = arith.constant 0 : index
    %swap3A_787 = vector.load %arg1[%swap3A_784, %swap3A_785, %swap3A_786] : memref<128x16x3968xf32, #tpu.memory_space<vmem>>, vector<1x16x3968xf32>
    %swap3A_788 = vector.shape_cast %swap3A_787 : vector<1x16x3968xf32> to vector<16x3968xf32>
    %swap3A_789 = vector.shape_cast %get3A_783 : vector<16x3968xf32> to vector<1x16x3968xf32>
    tpu.vector_store %arg1[%swap3A_784, %swap3A_785, %swap3A_786], %swap3A_789 {strides = array<i32>} : memref<128x16x3968xf32, #tpu.memory_space<vmem>>, vector<1x16x3968xf32>,
    %get3A_790 = arith.constant 0 : index
    %get3A_791 = arith.constant 40 : index
    %get3A_792 = vector.load %arg0[%get3A_790, %get3A_791] : memref<16x4096xf32, #tpu.memory_space<vmem>>, vector<16x3968xf32>
    %swap3A_793 = arith.constant 88 : index
    %swap3A_794 = arith.constant 0 : index
    %swap3A_795 = arith.constant 0 : index
    %swap3A_796 = vector.load %arg1[%swap3A_793, %swap3A_794, %swap3A_795] : memref<128x16x3968xf32, #tpu.memory_space<vmem>>, vector<1x16x3968xf32>
    %swap3A_797 = vector.shape_cast %swap3A_796 : vector<1x16x3968xf32> to vector<16x3968xf32>
    %swap3A_798 = vector.shape_cast %get3A_792 : vector<16x3968xf32> to vector<1x16x3968xf32>
    tpu.vector_store %arg1[%swap3A_793, %swap3A_794, %swap3A_795], %swap3A_798 {strides = array<i32>} : memref<128x16x3968xf32, #tpu.memory_space<vmem>>, vector<1x16x3968xf32>,
    %get3A_799 = arith.constant 0 : index
    %get3A_800 = arith.constant 39 : index
    %get3A_801 = vector.load %arg0[%get3A_799, %get3A_800] : memref<16x4096xf32, #tpu.memory_space<vmem>>, vector<16x3968xf32>
    %swap3A_802 = arith.constant 89 : index
    %swap3A_803 = arith.constant 0 : index
    %swap3A_804 = arith.constant 0 : index
    %swap3A_805 = vector.load %arg1[%swap3A_802, %swap3A_803, %swap3A_804] : memref<128x16x3968xf32, #tpu.memory_space<vmem>>, vector<1x16x3968xf32>
    %swap3A_806 = vector.shape_cast %swap3A_805 : vector<1x16x3968xf32> to vector<16x3968xf32>
    %swap3A_807 = vector.shape_cast %get3A_801 : vector<16x3968xf32> to vector<1x16x3968xf32>
    tpu.vector_store %arg1[%swap3A_802, %swap3A_803, %swap3A_804], %swap3A_807 {strides = array<i32>} : memref<128x16x3968xf32, #tpu.memory_space<vmem>>, vector<1x16x3968xf32>,
    %get3A_808 = arith.constant 0 : index
    %get3A_809 = arith.constant 38 : index
    %get3A_810 = vector.load %arg0[%get3A_808, %get3A_809] : memref<16x4096xf32, #tpu.memory_space<vmem>>, vector<16x3968xf32>
    %swap3A_811 = arith.constant 90 : index
    %swap3A_812 = arith.constant 0 : index
    %swap3A_813 = arith.constant 0 : index
    %swap3A_814 = vector.load %arg1[%swap3A_811, %swap3A_812, %swap3A_813] : memref<128x16x3968xf32, #tpu.memory_space<vmem>>, vector<1x16x3968xf32>
    %swap3A_815 = vector.shape_cast %swap3A_814 : vector<1x16x3968xf32> to vector<16x3968xf32>
    %swap3A_816 = vector.shape_cast %get3A_810 : vector<16x3968xf32> to vector<1x16x3968xf32>
    tpu.vector_store %arg1[%swap3A_811, %swap3A_812, %swap3A_813], %swap3A_816 {strides = array<i32>} : memref<128x16x3968xf32, #tpu.memory_space<vmem>>, vector<1x16x3968xf32>,
    %get3A_817 = arith.constant 0 : index
    %get3A_818 = arith.constant 37 : index
    %get3A_819 = vector.load %arg0[%get3A_817, %get3A_818] : memref<16x4096xf32, #tpu.memory_space<vmem>>, vector<16x3968xf32>
    %swap3A_820 = arith.constant 91 : index
    %swap3A_821 = arith.constant 0 : index
    %swap3A_822 = arith.constant 0 : index
    %swap3A_823 = vector.load %arg1[%swap3A_820, %swap3A_821, %swap3A_822] : memref<128x16x3968xf32, #tpu.memory_space<vmem>>, vector<1x16x3968xf32>
    %swap3A_824 = vector.shape_cast %swap3A_823 : vector<1x16x3968xf32> to vector<16x3968xf32>
    %swap3A_825 = vector.shape_cast %get3A_819 : vector<16x3968xf32> to vector<1x16x3968xf32>
    tpu.vector_store %arg1[%swap3A_820, %swap3A_821, %swap3A_822], %swap3A_825 {strides = array<i32>} : memref<128x16x3968xf32, #tpu.memory_space<vmem>>, vector<1x16x3968xf32>,
    %get3A_826 = arith.constant 0 : index
    %get3A_827 = arith.constant 36 : index
    %get3A_828 = vector.load %arg0[%get3A_826, %get3A_827] : memref<16x4096xf32, #tpu.memory_space<vmem>>, vector<16x3968xf32>
    %swap3A_829 = arith.constant 92 : index
    %swap3A_830 = arith.constant 0 : index
    %swap3A_831 = arith.constant 0 : index
    %swap3A_832 = vector.load %arg1[%swap3A_829, %swap3A_830, %swap3A_831] : memref<128x16x3968xf32, #tpu.memory_space<vmem>>, vector<1x16x3968xf32>
    %swap3A_833 = vector.shape_cast %swap3A_832 : vector<1x16x3968xf32> to vector<16x3968xf32>
    %swap3A_834 = vector.shape_cast %get3A_828 : vector<16x3968xf32> to vector<1x16x3968xf32>
    tpu.vector_store %arg1[%swap3A_829, %swap3A_830, %swap3A_831], %swap3A_834 {strides = array<i32>} : memref<128x16x3968xf32, #tpu.memory_space<vmem>>, vector<1x16x3968xf32>,
    %get3A_835 = arith.constant 0 : index
    %get3A_836 = arith.constant 35 : index
    %get3A_837 = vector.load %arg0[%get3A_835, %get3A_836] : memref<16x4096xf32, #tpu.memory_space<vmem>>, vector<16x3968xf32>
    %swap3A_838 = arith.constant 93 : index
    %swap3A_839 = arith.constant 0 : index
    %swap3A_840 = arith.constant 0 : index
    %swap3A_841 = vector.load %arg1[%swap3A_838, %swap3A_839, %swap3A_840] : memref<128x16x3968xf32, #tpu.memory_space<vmem>>, vector<1x16x3968xf32>
    %swap3A_842 = vector.shape_cast %swap3A_841 : vector<1x16x3968xf32> to vector<16x3968xf32>
    %swap3A_843 = vector.shape_cast %get3A_837 : vector<16x3968xf32> to vector<1x16x3968xf32>
    tpu.vector_store %arg1[%swap3A_838, %swap3A_839, %swap3A_840], %swap3A_843 {strides = array<i32>} : memref<128x16x3968xf32, #tpu.memory_space<vmem>>, vector<1x16x3968xf32>,
    %get3A_844 = arith.constant 0 : index
    %get3A_845 = arith.constant 34 : index
    %get3A_846 = vector.load %arg0[%get3A_844, %get3A_845] : memref<16x4096xf32, #tpu.memory_space<vmem>>, vector<16x3968xf32>
    %swap3A_847 = arith.constant 94 : index
    %swap3A_848 = arith.constant 0 : index
    %swap3A_849 = arith.constant 0 : index
    %swap3A_850 = vector.load %arg1[%swap3A_847, %swap3A_848, %swap3A_849] : memref<128x16x3968xf32, #tpu.memory_space<vmem>>, vector<1x16x3968xf32>
    %swap3A_851 = vector.shape_cast %swap3A_850 : vector<1x16x3968xf32> to vector<16x3968xf32>
    %swap3A_852 = vector.shape_cast %get3A_846 : vector<16x3968xf32> to vector<1x16x3968xf32>
    tpu.vector_store %arg1[%swap3A_847, %swap3A_848, %swap3A_849], %swap3A_852 {strides = array<i32>} : memref<128x16x3968xf32, #tpu.memory_space<vmem>>, vector<1x16x3968xf32>,
    %get3A_853 = arith.constant 0 : index
    %get3A_854 = arith.constant 33 : index
    %get3A_855 = vector.load %arg0[%get3A_853, %get3A_854] : memref<16x4096xf32, #tpu.memory_space<vmem>>, vector<16x3968xf32>
    %swap3A_856 = arith.constant 95 : index
    %swap3A_857 = arith.constant 0 : index
    %swap3A_858 = arith.constant 0 : index
    %swap3A_859 = vector.load %arg1[%swap3A_856, %swap3A_857, %swap3A_858] : memref<128x16x3968xf32, #tpu.memory_space<vmem>>, vector<1x16x3968xf32>
    %swap3A_860 = vector.shape_cast %swap3A_859 : vector<1x16x3968xf32> to vector<16x3968xf32>
    %swap3A_861 = vector.shape_cast %get3A_855 : vector<16x3968xf32> to vector<1x16x3968xf32>
    tpu.vector_store %arg1[%swap3A_856, %swap3A_857, %swap3A_858], %swap3A_861 {strides = array<i32>} : memref<128x16x3968xf32, #tpu.memory_space<vmem>>, vector<1x16x3968xf32>,
    %get3A_862 = arith.constant 0 : index
    %get3A_863 = arith.constant 32 : index
    %get3A_864 = vector.load %arg0[%get3A_862, %get3A_863] : memref<16x4096xf32, #tpu.memory_space<vmem>>, vector<16x3968xf32>
    %swap3A_865 = arith.constant 96 : index
    %swap3A_866 = arith.constant 0 : index
    %swap3A_867 = arith.constant 0 : index
    %swap3A_868 = vector.load %arg1[%swap3A_865, %swap3A_866, %swap3A_867] : memref<128x16x3968xf32, #tpu.memory_space<vmem>>, vector<1x16x3968xf32>
    %swap3A_869 = vector.shape_cast %swap3A_868 : vector<1x16x3968xf32> to vector<16x3968xf32>
    %swap3A_870 = vector.shape_cast %get3A_864 : vector<16x3968xf32> to vector<1x16x3968xf32>
    tpu.vector_store %arg1[%swap3A_865, %swap3A_866, %swap3A_867], %swap3A_870 {strides = array<i32>} : memref<128x16x3968xf32, #tpu.memory_space<vmem>>, vector<1x16x3968xf32>,
    %get3A_871 = arith.constant 0 : index
    %get3A_872 = arith.constant 31 : index
    %get3A_873 = vector.load %arg0[%get3A_871, %get3A_872] : memref<16x4096xf32, #tpu.memory_space<vmem>>, vector<16x3968xf32>
    %swap3A_874 = arith.constant 97 : index
    %swap3A_875 = arith.constant 0 : index
    %swap3A_876 = arith.constant 0 : index
    %swap3A_877 = vector.load %arg1[%swap3A_874, %swap3A_875, %swap3A_876] : memref<128x16x3968xf32, #tpu.memory_space<vmem>>, vector<1x16x3968xf32>
    %swap3A_878 = vector.shape_cast %swap3A_877 : vector<1x16x3968xf32> to vector<16x3968xf32>
    %swap3A_879 = vector.shape_cast %get3A_873 : vector<16x3968xf32> to vector<1x16x3968xf32>
    tpu.vector_store %arg1[%swap3A_874, %swap3A_875, %swap3A_876], %swap3A_879 {strides = array<i32>} : memref<128x16x3968xf32, #tpu.memory_space<vmem>>, vector<1x16x3968xf32>,
    %get3A_880 = arith.constant 0 : index
    %get3A_881 = arith.constant 30 : index
    %get3A_882 = vector.load %arg0[%get3A_880, %get3A_881] : memref<16x4096xf32, #tpu.memory_space<vmem>>, vector<16x3968xf32>
    %swap3A_883 = arith.constant 98 : index
    %swap3A_884 = arith.constant 0 : index
    %swap3A_885 = arith.constant 0 : index
    %swap3A_886 = vector.load %arg1[%swap3A_883, %swap3A_884, %swap3A_885] : memref<128x16x3968xf32, #tpu.memory_space<vmem>>, vector<1x16x3968xf32>
    %swap3A_887 = vector.shape_cast %swap3A_886 : vector<1x16x3968xf32> to vector<16x3968xf32>
    %swap3A_888 = vector.shape_cast %get3A_882 : vector<16x3968xf32> to vector<1x16x3968xf32>
    tpu.vector_store %arg1[%swap3A_883, %swap3A_884, %swap3A_885], %swap3A_888 {strides = array<i32>} : memref<128x16x3968xf32, #tpu.memory_space<vmem>>, vector<1x16x3968xf32>,
    %get3A_889 = arith.constant 0 : index
    %get3A_890 = arith.constant 29 : index
    %get3A_891 = vector.load %arg0[%get3A_889, %get3A_890] : memref<16x4096xf32, #tpu.memory_space<vmem>>, vector<16x3968xf32>
    %swap3A_892 = arith.constant 99 : index
    %swap3A_893 = arith.constant 0 : index
    %swap3A_894 = arith.constant 0 : index
    %swap3A_895 = vector.load %arg1[%swap3A_892, %swap3A_893, %swap3A_894] : memref<128x16x3968xf32, #tpu.memory_space<vmem>>, vector<1x16x3968xf32>
    %swap3A_896 = vector.shape_cast %swap3A_895 : vector<1x16x3968xf32> to vector<16x3968xf32>
    %swap3A_897 = vector.shape_cast %get3A_891 : vector<16x3968xf32> to vector<1x16x3968xf32>
    tpu.vector_store %arg1[%swap3A_892, %swap3A_893, %swap3A_894], %swap3A_897 {strides = array<i32>} : memref<128x16x3968xf32, #tpu.memory_space<vmem>>, vector<1x16x3968xf32>,
    %get3A_898 = arith.constant 0 : index
    %get3A_899 = arith.constant 28 : index
    %get3A_900 = vector.load %arg0[%get3A_898, %get3A_899] : memref<16x4096xf32, #tpu.memory_space<vmem>>, vector<16x3968xf32>
    %swap3A_901 = arith.constant 100 : index
    %swap3A_902 = arith.constant 0 : index
    %swap3A_903 = arith.constant 0 : index
    %swap3A_904 = vector.load %arg1[%swap3A_901, %swap3A_902, %swap3A_903] : memref<128x16x3968xf32, #tpu.memory_space<vmem>>, vector<1x16x3968xf32>
    %swap3A_905 = vector.shape_cast %swap3A_904 : vector<1x16x3968xf32> to vector<16x3968xf32>
    %swap3A_906 = vector.shape_cast %get3A_900 : vector<16x3968xf32> to vector<1x16x3968xf32>
    tpu.vector_store %arg1[%swap3A_901, %swap3A_902, %swap3A_903], %swap3A_906 {strides = array<i32>} : memref<128x16x3968xf32, #tpu.memory_space<vmem>>, vector<1x16x3968xf32>,
    %get3A_907 = arith.constant 0 : index
    %get3A_908 = arith.constant 27 : index
    %get3A_909 = vector.load %arg0[%get3A_907, %get3A_908] : memref<16x4096xf32, #tpu.memory_space<vmem>>, vector<16x3968xf32>
    %swap3A_910 = arith.constant 101 : index
    %swap3A_911 = arith.constant 0 : index
    %swap3A_912 = arith.constant 0 : index
    %swap3A_913 = vector.load %arg1[%swap3A_910, %swap3A_911, %swap3A_912] : memref<128x16x3968xf32, #tpu.memory_space<vmem>>, vector<1x16x3968xf32>
    %swap3A_914 = vector.shape_cast %swap3A_913 : vector<1x16x3968xf32> to vector<16x3968xf32>
    %swap3A_915 = vector.shape_cast %get3A_909 : vector<16x3968xf32> to vector<1x16x3968xf32>
    tpu.vector_store %arg1[%swap3A_910, %swap3A_911, %swap3A_912], %swap3A_915 {strides = array<i32>} : memref<128x16x3968xf32, #tpu.memory_space<vmem>>, vector<1x16x3968xf32>,
    %get3A_916 = arith.constant 0 : index
    %get3A_917 = arith.constant 26 : index
    %get3A_918 = vector.load %arg0[%get3A_916, %get3A_917] : memref<16x4096xf32, #tpu.memory_space<vmem>>, vector<16x3968xf32>
    %swap3A_919 = arith.constant 102 : index
    %swap3A_920 = arith.constant 0 : index
    %swap3A_921 = arith.constant 0 : index
    %swap3A_922 = vector.load %arg1[%swap3A_919, %swap3A_920, %swap3A_921] : memref<128x16x3968xf32, #tpu.memory_space<vmem>>, vector<1x16x3968xf32>
    %swap3A_923 = vector.shape_cast %swap3A_922 : vector<1x16x3968xf32> to vector<16x3968xf32>
    %swap3A_924 = vector.shape_cast %get3A_918 : vector<16x3968xf32> to vector<1x16x3968xf32>
    tpu.vector_store %arg1[%swap3A_919, %swap3A_920, %swap3A_921], %swap3A_924 {strides = array<i32>} : memref<128x16x3968xf32, #tpu.memory_space<vmem>>, vector<1x16x3968xf32>,
    %get3A_925 = arith.constant 0 : index
    %get3A_926 = arith.constant 25 : index
    %get3A_927 = vector.load %arg0[%get3A_925, %get3A_926] : memref<16x4096xf32, #tpu.memory_space<vmem>>, vector<16x3968xf32>
    %swap3A_928 = arith.constant 103 : index
    %swap3A_929 = arith.constant 0 : index
    %swap3A_930 = arith.constant 0 : index
    %swap3A_931 = vector.load %arg1[%swap3A_928, %swap3A_929, %swap3A_930] : memref<128x16x3968xf32, #tpu.memory_space<vmem>>, vector<1x16x3968xf32>
    %swap3A_932 = vector.shape_cast %swap3A_931 : vector<1x16x3968xf32> to vector<16x3968xf32>
    %swap3A_933 = vector.shape_cast %get3A_927 : vector<16x3968xf32> to vector<1x16x3968xf32>
    tpu.vector_store %arg1[%swap3A_928, %swap3A_929, %swap3A_930], %swap3A_933 {strides = array<i32>} : memref<128x16x3968xf32, #tpu.memory_space<vmem>>, vector<1x16x3968xf32>,
    %get3A_934 = arith.constant 0 : index
    %get3A_935 = arith.constant 24 : index
    %get3A_936 = vector.load %arg0[%get3A_934, %get3A_935] : memref<16x4096xf32, #tpu.memory_space<vmem>>, vector<16x3968xf32>
    %swap3A_937 = arith.constant 104 : index
    %swap3A_938 = arith.constant 0 : index
    %swap3A_939 = arith.constant 0 : index
    %swap3A_940 = vector.load %arg1[%swap3A_937, %swap3A_938, %swap3A_939] : memref<128x16x3968xf32, #tpu.memory_space<vmem>>, vector<1x16x3968xf32>
    %swap3A_941 = vector.shape_cast %swap3A_940 : vector<1x16x3968xf32> to vector<16x3968xf32>
    %swap3A_942 = vector.shape_cast %get3A_936 : vector<16x3968xf32> to vector<1x16x3968xf32>
    tpu.vector_store %arg1[%swap3A_937, %swap3A_938, %swap3A_939], %swap3A_942 {strides = array<i32>} : memref<128x16x3968xf32, #tpu.memory_space<vmem>>, vector<1x16x3968xf32>,
    %get3A_943 = arith.constant 0 : index
    %get3A_944 = arith.constant 23 : index
    %get3A_945 = vector.load %arg0[%get3A_943, %get3A_944] : memref<16x4096xf32, #tpu.memory_space<vmem>>, vector<16x3968xf32>
    %swap3A_946 = arith.constant 105 : index
    %swap3A_947 = arith.constant 0 : index
    %swap3A_948 = arith.constant 0 : index
    %swap3A_949 = vector.load %arg1[%swap3A_946, %swap3A_947, %swap3A_948] : memref<128x16x3968xf32, #tpu.memory_space<vmem>>, vector<1x16x3968xf32>
    %swap3A_950 = vector.shape_cast %swap3A_949 : vector<1x16x3968xf32> to vector<16x3968xf32>
    %swap3A_951 = vector.shape_cast %get3A_945 : vector<16x3968xf32> to vector<1x16x3968xf32>
    tpu.vector_store %arg1[%swap3A_946, %swap3A_947, %swap3A_948], %swap3A_951 {strides = array<i32>} : memref<128x16x3968xf32, #tpu.memory_space<vmem>>, vector<1x16x3968xf32>,
    %get3A_952 = arith.constant 0 : index
    %get3A_953 = arith.constant 22 : index
    %get3A_954 = vector.load %arg0[%get3A_952, %get3A_953] : memref<16x4096xf32, #tpu.memory_space<vmem>>, vector<16x3968xf32>
    %swap3A_955 = arith.constant 106 : index
    %swap3A_956 = arith.constant 0 : index
    %swap3A_957 = arith.constant 0 : index
    %swap3A_958 = vector.load %arg1[%swap3A_955, %swap3A_956, %swap3A_957] : memref<128x16x3968xf32, #tpu.memory_space<vmem>>, vector<1x16x3968xf32>
    %swap3A_959 = vector.shape_cast %swap3A_958 : vector<1x16x3968xf32> to vector<16x3968xf32>
    %swap3A_960 = vector.shape_cast %get3A_954 : vector<16x3968xf32> to vector<1x16x3968xf32>
    tpu.vector_store %arg1[%swap3A_955, %swap3A_956, %swap3A_957], %swap3A_960 {strides = array<i32>} : memref<128x16x3968xf32, #tpu.memory_space<vmem>>, vector<1x16x3968xf32>,
    %get3A_961 = arith.constant 0 : index
    %get3A_962 = arith.constant 21 : index
    %get3A_963 = vector.load %arg0[%get3A_961, %get3A_962] : memref<16x4096xf32, #tpu.memory_space<vmem>>, vector<16x3968xf32>
    %swap3A_964 = arith.constant 107 : index
    %swap3A_965 = arith.constant 0 : index
    %swap3A_966 = arith.constant 0 : index
    %swap3A_967 = vector.load %arg1[%swap3A_964, %swap3A_965, %swap3A_966] : memref<128x16x3968xf32, #tpu.memory_space<vmem>>, vector<1x16x3968xf32>
    %swap3A_968 = vector.shape_cast %swap3A_967 : vector<1x16x3968xf32> to vector<16x3968xf32>
    %swap3A_969 = vector.shape_cast %get3A_963 : vector<16x3968xf32> to vector<1x16x3968xf32>
    tpu.vector_store %arg1[%swap3A_964, %swap3A_965, %swap3A_966], %swap3A_969 {strides = array<i32>} : memref<128x16x3968xf32, #tpu.memory_space<vmem>>, vector<1x16x3968xf32>,
    %get3A_970 = arith.constant 0 : index
    %get3A_971 = arith.constant 20 : index
    %get3A_972 = vector.load %arg0[%get3A_970, %get3A_971] : memref<16x4096xf32, #tpu.memory_space<vmem>>, vector<16x3968xf32>
    %swap3A_973 = arith.constant 108 : index
    %swap3A_974 = arith.constant 0 : index
    %swap3A_975 = arith.constant 0 : index
    %swap3A_976 = vector.load %arg1[%swap3A_973, %swap3A_974, %swap3A_975] : memref<128x16x3968xf32, #tpu.memory_space<vmem>>, vector<1x16x3968xf32>
    %swap3A_977 = vector.shape_cast %swap3A_976 : vector<1x16x3968xf32> to vector<16x3968xf32>
    %swap3A_978 = vector.shape_cast %get3A_972 : vector<16x3968xf32> to vector<1x16x3968xf32>
    tpu.vector_store %arg1[%swap3A_973, %swap3A_974, %swap3A_975], %swap3A_978 {strides = array<i32>} : memref<128x16x3968xf32, #tpu.memory_space<vmem>>, vector<1x16x3968xf32>,
    %get3A_979 = arith.constant 0 : index
    %get3A_980 = arith.constant 19 : index
    %get3A_981 = vector.load %arg0[%get3A_979, %get3A_980] : memref<16x4096xf32, #tpu.memory_space<vmem>>, vector<16x3968xf32>
    %swap3A_982 = arith.constant 109 : index
    %swap3A_983 = arith.constant 0 : index
    %swap3A_984 = arith.constant 0 : index
    %swap3A_985 = vector.load %arg1[%swap3A_982, %swap3A_983, %swap3A_984] : memref<128x16x3968xf32, #tpu.memory_space<vmem>>, vector<1x16x3968xf32>
    %swap3A_986 = vector.shape_cast %swap3A_985 : vector<1x16x3968xf32> to vector<16x3968xf32>
    %swap3A_987 = vector.shape_cast %get3A_981 : vector<16x3968xf32> to vector<1x16x3968xf32>
    tpu.vector_store %arg1[%swap3A_982, %swap3A_983, %swap3A_984], %swap3A_987 {strides = array<i32>} : memref<128x16x3968xf32, #tpu.memory_space<vmem>>, vector<1x16x3968xf32>,
    %get3A_988 = arith.constant 0 : index
    %get3A_989 = arith.constant 18 : index
    %get3A_990 = vector.load %arg0[%get3A_988, %get3A_989] : memref<16x4096xf32, #tpu.memory_space<vmem>>, vector<16x3968xf32>
    %swap3A_991 = arith.constant 110 : index
    %swap3A_992 = arith.constant 0 : index
    %swap3A_993 = arith.constant 0 : index
    %swap3A_994 = vector.load %arg1[%swap3A_991, %swap3A_992, %swap3A_993] : memref<128x16x3968xf32, #tpu.memory_space<vmem>>, vector<1x16x3968xf32>
    %swap3A_995 = vector.shape_cast %swap3A_994 : vector<1x16x3968xf32> to vector<16x3968xf32>
    %swap3A_996 = vector.shape_cast %get3A_990 : vector<16x3968xf32> to vector<1x16x3968xf32>
    tpu.vector_store %arg1[%swap3A_991, %swap3A_992, %swap3A_993], %swap3A_996 {strides = array<i32>} : memref<128x16x3968xf32, #tpu.memory_space<vmem>>, vector<1x16x3968xf32>,
    %get3A_997 = arith.constant 0 : index
    %get3A_998 = arith.constant 17 : index
    %get3A_999 = vector.load %arg0[%get3A_997, %get3A_998] : memref<16x4096xf32, #tpu.memory_space<vmem>>, vector<16x3968xf32>
    %swap3A_1000 = arith.constant 111 : index
    %swap3A_1001 = arith.constant 0 : index
    %swap3A_1002 = arith.constant 0 : index
    %swap3A_1003 = vector.load %arg1[%swap3A_1000, %swap3A_1001, %swap3A_1002] : memref<128x16x3968xf32, #tpu.memory_space<vmem>>, vector<1x16x3968xf32>
    %swap3A_1004 = vector.shape_cast %swap3A_1003 : vector<1x16x3968xf32> to vector<16x3968xf32>
    %swap3A_1005 = vector.shape_cast %get3A_999 : vector<16x3968xf32> to vector<1x16x3968xf32>
    tpu.vector_store %arg1[%swap3A_1000, %swap3A_1001, %swap3A_1002], %swap3A_1005 {strides = array<i32>} : memref<128x16x3968xf32, #tpu.memory_space<vmem>>, vector<1x16x3968xf32>,
    %get3A_1006 = arith.constant 0 : index
    %get3A_1007 = arith.constant 16 : index
    %get3A_1008 = vector.load %arg0[%get3A_1006, %get3A_1007] : memref<16x4096xf32, #tpu.memory_space<vmem>>, vector<16x3968xf32>
    %swap3A_1009 = arith.constant 112 : index
    %swap3A_1010 = arith.constant 0 : index
    %swap3A_1011 = arith.constant 0 : index
    %swap3A_1012 = vector.load %arg1[%swap3A_1009, %swap3A_1010, %swap3A_1011] : memref<128x16x3968xf32, #tpu.memory_space<vmem>>, vector<1x16x3968xf32>
    %swap3A_1013 = vector.shape_cast %swap3A_1012 : vector<1x16x3968xf32> to vector<16x3968xf32>
    %swap3A_1014 = vector.shape_cast %get3A_1008 : vector<16x3968xf32> to vector<1x16x3968xf32>
    tpu.vector_store %arg1[%swap3A_1009, %swap3A_1010, %swap3A_1011], %swap3A_1014 {strides = array<i32>} : memref<128x16x3968xf32, #tpu.memory_space<vmem>>, vector<1x16x3968xf32>,
    %get3A_1015 = arith.constant 0 : index
    %get3A_1016 = arith.constant 15 : index
    %get3A_1017 = vector.load %arg0[%get3A_1015, %get3A_1016] : memref<16x4096xf32, #tpu.memory_space<vmem>>, vector<16x3968xf32>
    %swap3A_1018 = arith.constant 113 : index
    %swap3A_1019 = arith.constant 0 : index
    %swap3A_1020 = arith.constant 0 : index
    %swap3A_1021 = vector.load %arg1[%swap3A_1018, %swap3A_1019, %swap3A_1020] : memref<128x16x3968xf32, #tpu.memory_space<vmem>>, vector<1x16x3968xf32>
    %swap3A_1022 = vector.shape_cast %swap3A_1021 : vector<1x16x3968xf32> to vector<16x3968xf32>
    %swap3A_1023 = vector.shape_cast %get3A_1017 : vector<16x3968xf32> to vector<1x16x3968xf32>
    tpu.vector_store %arg1[%swap3A_1018, %swap3A_1019, %swap3A_1020], %swap3A_1023 {strides = array<i32>} : memref<128x16x3968xf32, #tpu.memory_space<vmem>>, vector<1x16x3968xf32>,
    %get3A_1024 = arith.constant 0 : index
    %get3A_1025 = arith.constant 14 : index
    %get3A_1026 = vector.load %arg0[%get3A_1024, %get3A_1025] : memref<16x4096xf32, #tpu.memory_space<vmem>>, vector<16x3968xf32>
    %swap3A_1027 = arith.constant 114 : index
    %swap3A_1028 = arith.constant 0 : index
    %swap3A_1029 = arith.constant 0 : index
    %swap3A_1030 = vector.load %arg1[%swap3A_1027, %swap3A_1028, %swap3A_1029] : memref<128x16x3968xf32, #tpu.memory_space<vmem>>, vector<1x16x3968xf32>
    %swap3A_1031 = vector.shape_cast %swap3A_1030 : vector<1x16x3968xf32> to vector<16x3968xf32>
    %swap3A_1032 = vector.shape_cast %get3A_1026 : vector<16x3968xf32> to vector<1x16x3968xf32>
    tpu.vector_store %arg1[%swap3A_1027, %swap3A_1028, %swap3A_1029], %swap3A_1032 {strides = array<i32>} : memref<128x16x3968xf32, #tpu.memory_space<vmem>>, vector<1x16x3968xf32>,
    %get3A_1033 = arith.constant 0 : index
    %get3A_1034 = arith.constant 13 : index
    %get3A_1035 = vector.load %arg0[%get3A_1033, %get3A_1034] : memref<16x4096xf32, #tpu.memory_space<vmem>>, vector<16x3968xf32>
    %swap3A_1036 = arith.constant 115 : index
    %swap3A_1037 = arith.constant 0 : index
    %swap3A_1038 = arith.constant 0 : index
    %swap3A_1039 = vector.load %arg1[%swap3A_1036, %swap3A_1037, %swap3A_1038] : memref<128x16x3968xf32, #tpu.memory_space<vmem>>, vector<1x16x3968xf32>
    %swap3A_1040 = vector.shape_cast %swap3A_1039 : vector<1x16x3968xf32> to vector<16x3968xf32>
    %swap3A_1041 = vector.shape_cast %get3A_1035 : vector<16x3968xf32> to vector<1x16x3968xf32>
    tpu.vector_store %arg1[%swap3A_1036, %swap3A_1037, %swap3A_1038], %swap3A_1041 {strides = array<i32>} : memref<128x16x3968xf32, #tpu.memory_space<vmem>>, vector<1x16x3968xf32>,
    %get3A_1042 = arith.constant 0 : index
    %get3A_1043 = arith.constant 12 : index
    %get3A_1044 = vector.load %arg0[%get3A_1042, %get3A_1043] : memref<16x4096xf32, #tpu.memory_space<vmem>>, vector<16x3968xf32>
    %swap3A_1045 = arith.constant 116 : index
    %swap3A_1046 = arith.constant 0 : index
    %swap3A_1047 = arith.constant 0 : index
    %swap3A_1048 = vector.load %arg1[%swap3A_1045, %swap3A_1046, %swap3A_1047] : memref<128x16x3968xf32, #tpu.memory_space<vmem>>, vector<1x16x3968xf32>
    %swap3A_1049 = vector.shape_cast %swap3A_1048 : vector<1x16x3968xf32> to vector<16x3968xf32>
    %swap3A_1050 = vector.shape_cast %get3A_1044 : vector<16x3968xf32> to vector<1x16x3968xf32>
    tpu.vector_store %arg1[%swap3A_1045, %swap3A_1046, %swap3A_1047], %swap3A_1050 {strides = array<i32>} : memref<128x16x3968xf32, #tpu.memory_space<vmem>>, vector<1x16x3968xf32>,
    %get3A_1051 = arith.constant 0 : index
    %get3A_1052 = arith.constant 11 : index
    %get3A_1053 = vector.load %arg0[%get3A_1051, %get3A_1052] : memref<16x4096xf32, #tpu.memory_space<vmem>>, vector<16x3968xf32>
    %swap3A_1054 = arith.constant 117 : index
    %swap3A_1055 = arith.constant 0 : index
    %swap3A_1056 = arith.constant 0 : index
    %swap3A_1057 = vector.load %arg1[%swap3A_1054, %swap3A_1055, %swap3A_1056] : memref<128x16x3968xf32, #tpu.memory_space<vmem>>, vector<1x16x3968xf32>
    %swap3A_1058 = vector.shape_cast %swap3A_1057 : vector<1x16x3968xf32> to vector<16x3968xf32>
    %swap3A_1059 = vector.shape_cast %get3A_1053 : vector<16x3968xf32> to vector<1x16x3968xf32>
    tpu.vector_store %arg1[%swap3A_1054, %swap3A_1055, %swap3A_1056], %swap3A_1059 {strides = array<i32>} : memref<128x16x3968xf32, #tpu.memory_space<vmem>>, vector<1x16x3968xf32>,
    %get3A_1060 = arith.constant 0 : index
    %get3A_1061 = arith.constant 10 : index
    %get3A_1062 = vector.load %arg0[%get3A_1060, %get3A_1061] : memref<16x4096xf32, #tpu.memory_space<vmem>>, vector<16x3968xf32>
    %swap3A_1063 = arith.constant 118 : index
    %swap3A_1064 = arith.constant 0 : index
    %swap3A_1065 = arith.constant 0 : index
    %swap3A_1066 = vector.load %arg1[%swap3A_1063, %swap3A_1064, %swap3A_1065] : memref<128x16x3968xf32, #tpu.memory_space<vmem>>, vector<1x16x3968xf32>
    %swap3A_1067 = vector.shape_cast %swap3A_1066 : vector<1x16x3968xf32> to vector<16x3968xf32>
    %swap3A_1068 = vector.shape_cast %get3A_1062 : vector<16x3968xf32> to vector<1x16x3968xf32>
    tpu.vector_store %arg1[%swap3A_1063, %swap3A_1064, %swap3A_1065], %swap3A_1068 {strides = array<i32>} : memref<128x16x3968xf32, #tpu.memory_space<vmem>>, vector<1x16x3968xf32>,
    %get3A_1069 = arith.constant 0 : index
    %get3A_1070 = arith.constant 9 : index
    %get3A_1071 = vector.load %arg0[%get3A_1069, %get3A_1070] : memref<16x4096xf32, #tpu.memory_space<vmem>>, vector<16x3968xf32>
    %swap3A_1072 = arith.constant 119 : index
    %swap3A_1073 = arith.constant 0 : index
    %swap3A_1074 = arith.constant 0 : index
    %swap3A_1075 = vector.load %arg1[%swap3A_1072, %swap3A_1073, %swap3A_1074] : memref<128x16x3968xf32, #tpu.memory_space<vmem>>, vector<1x16x3968xf32>
    %swap3A_1076 = vector.shape_cast %swap3A_1075 : vector<1x16x3968xf32> to vector<16x3968xf32>
    %swap3A_1077 = vector.shape_cast %get3A_1071 : vector<16x3968xf32> to vector<1x16x3968xf32>
    tpu.vector_store %arg1[%swap3A_1072, %swap3A_1073, %swap3A_1074], %swap3A_1077 {strides = array<i32>} : memref<128x16x3968xf32, #tpu.memory_space<vmem>>, vector<1x16x3968xf32>,
    %get3A_1078 = arith.constant 0 : index
    %get3A_1079 = arith.constant 8 : index
    %get3A_1080 = vector.load %arg0[%get3A_1078, %get3A_1079] : memref<16x4096xf32, #tpu.memory_space<vmem>>, vector<16x3968xf32>
    %swap3A_1081 = arith.constant 120 : index
    %swap3A_1082 = arith.constant 0 : index
    %swap3A_1083 = arith.constant 0 : index
    %swap3A_1084 = vector.load %arg1[%swap3A_1081, %swap3A_1082, %swap3A_1083] : memref<128x16x3968xf32, #tpu.memory_space<vmem>>, vector<1x16x3968xf32>
    %swap3A_1085 = vector.shape_cast %swap3A_1084 : vector<1x16x3968xf32> to vector<16x3968xf32>
    %swap3A_1086 = vector.shape_cast %get3A_1080 : vector<16x3968xf32> to vector<1x16x3968xf32>
    tpu.vector_store %arg1[%swap3A_1081, %swap3A_1082, %swap3A_1083], %swap3A_1086 {strides = array<i32>} : memref<128x16x3968xf32, #tpu.memory_space<vmem>>, vector<1x16x3968xf32>,
    %get3A_1087 = arith.constant 0 : index
    %get3A_1088 = arith.constant 7 : index
    %get3A_1089 = vector.load %arg0[%get3A_1087, %get3A_1088] : memref<16x4096xf32, #tpu.memory_space<vmem>>, vector<16x3968xf32>
    %swap3A_1090 = arith.constant 121 : index
    %swap3A_1091 = arith.constant 0 : index
    %swap3A_1092 = arith.constant 0 : index
    %swap3A_1093 = vector.load %arg1[%swap3A_1090, %swap3A_1091, %swap3A_1092] : memref<128x16x3968xf32, #tpu.memory_space<vmem>>, vector<1x16x3968xf32>
    %swap3A_1094 = vector.shape_cast %swap3A_1093 : vector<1x16x3968xf32> to vector<16x3968xf32>
    %swap3A_1095 = vector.shape_cast %get3A_1089 : vector<16x3968xf32> to vector<1x16x3968xf32>
    tpu.vector_store %arg1[%swap3A_1090, %swap3A_1091, %swap3A_1092], %swap3A_1095 {strides = array<i32>} : memref<128x16x3968xf32, #tpu.memory_space<vmem>>, vector<1x16x3968xf32>,
    %get3A_1096 = arith.constant 0 : index
    %get3A_1097 = arith.constant 6 : index
    %get3A_1098 = vector.load %arg0[%get3A_1096, %get3A_1097] : memref<16x4096xf32, #tpu.memory_space<vmem>>, vector<16x3968xf32>
    %swap3A_1099 = arith.constant 122 : index
    %swap3A_1100 = arith.constant 0 : index
    %swap3A_1101 = arith.constant 0 : index
    %swap3A_1102 = vector.load %arg1[%swap3A_1099, %swap3A_1100, %swap3A_1101] : memref<128x16x3968xf32, #tpu.memory_space<vmem>>, vector<1x16x3968xf32>
    %swap3A_1103 = vector.shape_cast %swap3A_1102 : vector<1x16x3968xf32> to vector<16x3968xf32>
    %swap3A_1104 = vector.shape_cast %get3A_1098 : vector<16x3968xf32> to vector<1x16x3968xf32>
    tpu.vector_store %arg1[%swap3A_1099, %swap3A_1100, %swap3A_1101], %swap3A_1104 {strides = array<i32>} : memref<128x16x3968xf32, #tpu.memory_space<vmem>>, vector<1x16x3968xf32>,
    %get3A_1105 = arith.constant 0 : index
    %get3A_1106 = arith.constant 5 : index
    %get3A_1107 = vector.load %arg0[%get3A_1105, %get3A_1106] : memref<16x4096xf32, #tpu.memory_space<vmem>>, vector<16x3968xf32>
    %swap3A_1108 = arith.constant 123 : index
    %swap3A_1109 = arith.constant 0 : index
    %swap3A_1110 = arith.constant 0 : index
    %swap3A_1111 = vector.load %arg1[%swap3A_1108, %swap3A_1109, %swap3A_1110] : memref<128x16x3968xf32, #tpu.memory_space<vmem>>, vector<1x16x3968xf32>
    %swap3A_1112 = vector.shape_cast %swap3A_1111 : vector<1x16x3968xf32> to vector<16x3968xf32>
    %swap3A_1113 = vector.shape_cast %get3A_1107 : vector<16x3968xf32> to vector<1x16x3968xf32>
    tpu.vector_store %arg1[%swap3A_1108, %swap3A_1109, %swap3A_1110], %swap3A_1113 {strides = array<i32>} : memref<128x16x3968xf32, #tpu.memory_space<vmem>>, vector<1x16x3968xf32>,
    %get3A_1114 = arith.constant 0 : index
    %get3A_1115 = arith.constant 4 : index
    %get3A_1116 = vector.load %arg0[%get3A_1114, %get3A_1115] : memref<16x4096xf32, #tpu.memory_space<vmem>>, vector<16x3968xf32>
    %swap3A_1117 = arith.constant 124 : index
    %swap3A_1118 = arith.constant 0 : index
    %swap3A_1119 = arith.constant 0 : index
    %swap3A_1120 = vector.load %arg1[%swap3A_1117, %swap3A_1118, %swap3A_1119] : memref<128x16x3968xf32, #tpu.memory_space<vmem>>, vector<1x16x3968xf32>
    %swap3A_1121 = vector.shape_cast %swap3A_1120 : vector<1x16x3968xf32> to vector<16x3968xf32>
    %swap3A_1122 = vector.shape_cast %get3A_1116 : vector<16x3968xf32> to vector<1x16x3968xf32>
    tpu.vector_store %arg1[%swap3A_1117, %swap3A_1118, %swap3A_1119], %swap3A_1122 {strides = array<i32>} : memref<128x16x3968xf32, #tpu.memory_space<vmem>>, vector<1x16x3968xf32>,
    %get3A_1123 = arith.constant 0 : index
    %get3A_1124 = arith.constant 3 : index
    %get3A_1125 = vector.load %arg0[%get3A_1123, %get3A_1124] : memref<16x4096xf32, #tpu.memory_space<vmem>>, vector<16x3968xf32>
    %swap3A_1126 = arith.constant 125 : index
    %swap3A_1127 = arith.constant 0 : index
    %swap3A_1128 = arith.constant 0 : index
    %swap3A_1129 = vector.load %arg1[%swap3A_1126, %swap3A_1127, %swap3A_1128] : memref<128x16x3968xf32, #tpu.memory_space<vmem>>, vector<1x16x3968xf32>
    %swap3A_1130 = vector.shape_cast %swap3A_1129 : vector<1x16x3968xf32> to vector<16x3968xf32>
    %swap3A_1131 = vector.shape_cast %get3A_1125 : vector<16x3968xf32> to vector<1x16x3968xf32>
    tpu.vector_store %arg1[%swap3A_1126, %swap3A_1127, %swap3A_1128], %swap3A_1131 {strides = array<i32>} : memref<128x16x3968xf32, #tpu.memory_space<vmem>>, vector<1x16x3968xf32>,
    %get3A_1132 = arith.constant 0 : index
    %get3A_1133 = arith.constant 2 : index
    %get3A_1134 = vector.load %arg0[%get3A_1132, %get3A_1133] : memref<16x4096xf32, #tpu.memory_space<vmem>>, vector<16x3968xf32>
    %swap3A_1135 = arith.constant 126 : index
    %swap3A_1136 = arith.constant 0 : index
    %swap3A_1137 = arith.constant 0 : index
    %swap3A_1138 = vector.load %arg1[%swap3A_1135, %swap3A_1136, %swap3A_1137] : memref<128x16x3968xf32, #tpu.memory_space<vmem>>, vector<1x16x3968xf32>
    %swap3A_1139 = vector.shape_cast %swap3A_1138 : vector<1x16x3968xf32> to vector<16x3968xf32>
    %swap3A_1140 = vector.shape_cast %get3A_1134 : vector<16x3968xf32> to vector<1x16x3968xf32>
    tpu.vector_store %arg1[%swap3A_1135, %swap3A_1136, %swap3A_1137], %swap3A_1140 {strides = array<i32>} : memref<128x16x3968xf32, #tpu.memory_space<vmem>>, vector<1x16x3968xf32>,
    %get3A_1141 = arith.constant 0 : index
    %get3A_1142 = arith.constant 1 : index
    %get3A_1143 = vector.load %arg0[%get3A_1141, %get3A_1142] : memref<16x4096xf32, #tpu.memory_space<vmem>>, vector<16x3968xf32>
    %swap3A_1144 = arith.constant 127 : index
    %swap3A_1145 = arith.constant 0 : index
    %swap3A_1146 = arith.constant 0 : index
    %swap3A_1147 = vector.load %arg1[%swap3A_1144, %swap3A_1145, %swap3A_1146] : memref<128x16x3968xf32, #tpu.memory_space<vmem>>, vector<1x16x3968xf32>
    %swap3A_1148 = vector.shape_cast %swap3A_1147 : vector<1x16x3968xf32> to vector<16x3968xf32>
    %swap3A_1149 = vector.shape_cast %get3A_1143 : vector<16x3968xf32> to vector<1x16x3968xf32>
    tpu.vector_store %arg1[%swap3A_1144, %swap3A_1145, %swap3A_1146], %swap3A_1149 {strides = array<i32>} : memref<128x16x3968xf32, #tpu.memory_space<vmem>>, vector<1x16x3968xf32>,
    return
  }
}

</mosaic_0001>

<sc_bundles>
// kernel: kernel.4.cloned.1.call-start
scs
__scs_entry_jumppad:
0x0: {  	(pc) =	sbr.rel $0x88, $3  }
0x1: {  	(tag) =	ssettag $0x0;
	lr =	simm.s32 $0x1  }
0x2: {  	[smem:$0x3FA0] =	sst lr;
	_ =	strace $0xD0000000  }
0x3: {  	_ = 	snop  }
0x4: {  	_ = 	snop  }
0x5: {  	_ = 	snop  }
0x6: {  	_ = 	snop  }
0x7: {  	_ = 	snop  }
__scs_overlays_trampoline_lowered:
0x8: {  	[smem:$0x3FAF] =	sst s0  }
0x9: {  	[smem:$0x3FB0] =	sst s1  }
0xa: {  	[smem:$0x3FB1] =	sst s2  }
0xb: {  	[smem:$0x3FB2] =	sst s3  }
0xc: {  	[smem:$0x3FB3] =	sst s4  }
0xd: {  	[smem:$0x3FB4] =	sst s5  }
0xe: {  	[smem:$0x3FB5] =	sst s6  }
0xf: {  	[smem:$0x3FB6] =	sst s7  }
0x10: {  	[smem:$0x3FB7] =	sst s8  }
0x11: {  	[smem:$0x3FB8] =	sst s9;
	s0 =	simm.s32 @!p0 $0x0  }
0x12: {  	s1 =	sld [smem:$0x3F9E];
	s0 =	simm.s32 @p0 $0x1  }
0x13: {  	[smem:$0x3FB9] =	sst s0;
	s0 =	simm.s32 @!p1 $0x0  }
0x14: {  	s2 =	sld [smem:$0x3F9D];
	s0 =	simm.s32 @p1 $0x1  }
0x15: {  	[smem:$0x3FBA] =	sst s0;
	s0 =	simm.s32 @!p2 $0x0  }
0x16: {  	s3 =	sld [smem:$0x3FDB];
	s0 =	simm.s32 @p2 $0x1  }
0x17: {  	s4 =	simm.s32 $0x1BF5;
	[smem:$0x3FBC] =	sst s0  }
0x18: {  	s0 =	sld [smem:$0x3F9F];
	_ =	swait.ge [sflag:s4], $0x0  }
0x19: {  	s7 =	sld [smem:$0x3FA0]  }
0x1a: {  	s8 =	sadd.s32 $0xFFFFE003, lr  }
0x1b: {  	s9 =	sadd.s32 $0xFFFFFEF7, lr;
	s5 =	simm.s32 $0xFFFFFFFF;
	p2 =	slt.u32 s8, $0xFFFFF086  }
0x1c: {  	p1 =	slt.u32 s9, $0xF7A;
	s5 =	simm.s32 @!p2 $0x0  }
0x1d: {  	s5 =	simm.s32 @p1 $0x1;
	p0 =	seq.s32 s7, s2  }
0x1e: {  	s7 =	smul.u32 @!p0 $0xF7A, s2;
	p2 =	seq.s32 @!p0 s5, $0x0  }
0x1f: {  	s9 =	smul.u32 $0xF7A, s1;
	s8 =	simm.s32 @!p0 $0x1BF5;
	p2 =	por !p2, p0  }
0x20: {  	[sflag:s8] =	ssyncset.s32 @!p0 $0xFFFFF086;
	s6 =	sadd.s32 @!p0 s3, s7;
	s7 =	simm.s32 @!p0 $0x108  }
0x21: {  	s3 =	sadd.s32 s3, s9;
	s6 =	sadd.s32 @!p0 $0x88, s6;
	s7 =	simm.s32 @p2 $0x1082  }
0x22: {  	[simem:s7], [sflag:s8] =	dma.local @!p0 [hbm:s6], $0xF7A  }
0x23: {  	s9 =	sor.u32 $0xD0000000, s2;
	s6 =	simm.s32 $0x108;
	_ =	swait.ge @!p0 [sflag:s8], $0x0  }
0x24: {  	s3 =	sadd.s32 $0x88, s3;
	s6 =	simm.s32 @!p1 $0x1082;
	[sflag:s4] =	ssyncset.s32 $0xFFFFF086  }
0x25: {  	[simem:s6], [sflag:s4] =	dma.local [hbm:s3], $0xF7A  }
0x26: {  	[smem:$0x3FA0] =	sst s1;
	(tag) =	ssettag s2;
	_ =	strace s9  }
0x27: {  	s1 =	sld [smem:$0x3FB0]  }
0x28: {  	s2 =	sld [smem:$0x3FB1]  }
0x29: {  	s4 =	sld [smem:$0x3FB3]  }
0x2a: {  	p0 =	seq.s32 s5, $0x0;
	s5 =	sld [smem:$0x3FB4]  }
0x2b: {  	s6 =	sld [smem:$0x3FB5]  }
0x2c: {  	s7 =	sld [smem:$0x3FB6]  }
0x2d: {  	s3 =	simm.s32 $0x108;
	s8 =	sld [smem:$0x3FB7]  }
0x2e: {  	s3 =	simm.s32 @!p0 $0x1082;
	s9 =	sld [smem:$0x3FB8]  }
0x2f: {  	lr =	sadd.s32 s0, s3;
	s0 =	sld [smem:$0x3FAF]  }
0x30: {  	s3 =	sld [smem:$0x3FB2]  }
0x31: {  	[smem:$0x3FBB] =	sst s10  }
0x32: {  	s10 =	sld [smem:$0x3FB9];
	_ =	sdelay $0x3  }
0x33: {  	p0 =	seq.s32 s10, $0x1;
	s10 =	sld [smem:$0x3FBB];
	_ =	sdelay $0x3  }
0x34: {  	[smem:$0x3FBB] =	sst s10  }
0x35: {  	s10 =	sld [smem:$0x3FBA];
	_ =	sdelay $0x3  }
0x36: {  	p1 =	seq.s32 s10, $0x1;
	s10 =	sld [smem:$0x3FBB];
	_ =	sdelay $0x3  }
0x37: {  	[smem:$0x3FBB] =	sst s10  }
0x38: {  	s10 =	sld [smem:$0x3FBC]  }
0x39: {  	_ = 	snop;
	(pc) =	sbr.ind lr, $3  }
0x3a: {  	_ = 	snop  }
0x3b: {  	_ = 	snop  }
0x3c: {  	p2 =	seq.s32 s10, $0x1;
	s10 =	sld [smem:$0x3FBB]  }
0x3d: {  	_ =	shalt  }
0x3e: {  	_ =	shalt  }
0x3f: {  	_ =	shalt  }
0x40: {  	_ =	shalt  }
0x41: {  	_ =	shalt  }
0x42: {  	_ =	shalt  }
0x43: {  	_ =	shalt  }
0x44: {  	_ =	shalt  }
0x45: {  	_ =	shalt  }
0x46: {  	_ =	shalt  }
0x47: {  	_ =	shalt  }
0x48: {  	_ =	shalt  }
0x49: {  	_ =	shalt  }
0x4a: {  	_ =	shalt  }
0x4b: {  	_ =	shalt  }
0x4c: {  	_ =	shalt  }
0x4d: {  	_ =	shalt  }
0x4e: {  	_ =	shalt  }
0x4f: {  	_ =	shalt  }
0x50: {  	_ =	shalt  }
0x51: {  	_ =	shalt  }
0x52: {  	_ =	shalt  }
0x53: {  	_ =	shalt  }
0x54: {  	_ =	shalt  }
0x55: {  	_ =	shalt  }
0x56: {  	_ =	shalt  }
0x57: {  	_ =	shalt  }
0x58: {  	_ =	shalt  }
0x59: {  	_ =	shalt  }
0x5a: {  	_ =	shalt  }
0x5b: {  	_ =	shalt  }
0x5c: {  	_ =	shalt  }
0x5d: {  	_ =	shalt  }
0x5e: {  	_ =	shalt  }
0x5f: {  	_ =	shalt  }
0x60: {  	_ =	shalt  }
0x61: {  	_ =	shalt  }
0x62: {  	_ =	shalt  }
0x63: {  	_ =	shalt  }
0x64: {  	_ =	shalt  }
0x65: {  	_ =	shalt  }
0x66: {  	_ =	shalt  }
0x67: {  	_ =	shalt  }
0x68: {  	_ =	shalt  }
0x69: {  	_ =	shalt  }
0x6a: {  	_ =	shalt  }
0x6b: {  	_ =	shalt  }
0x6c: {  	_ =	shalt  }
0x6d: {  	_ =	shalt  }
0x6e: {  	_ =	shalt  }
0x6f: {  	_ =	shalt  }
0x70: {  	_ =	shalt  }
0x71: {  	_ =	shalt  }
0x72: {  	_ =	shalt  }
0x73: {  	_ =	shalt  }
0x74: {  	_ =	shalt  }
0x75: {  	_ =	shalt  }
0x76: {  	_ =	shalt  }
0x77: {  	_ =	shalt  }
0x78: {  	_ =	shalt  }
0x79: {  	_ =	shalt  }
0x7a: {  	_ =	shalt  }
0x7b: {  	_ =	shalt  }
0x7c: {  	_ =	shalt  }
0x7d: {  	_ =	shalt  }
0x7e: {  	_ =	shalt  }
0x7f: {  	_ =	shalt  }
0x80: {  	_ =	shalt  }
0x81: {  	_ =	shalt  }
0x82: {  	_ =	shalt  }
0x83: {  	_ =	shalt  }
0x84: {  	_ =	shalt  }
0x85: {  	_ =	shalt  }
0x86: {  	_ =	shalt  }
0x87: {  	_ =	shalt  }
.Lfunc_end0:
.L_simem_size_0:
called_computation_lowered:
.L_overlay_start_0:
0x88: {  	s2 =	sld [smem:$0x3FD9]  }
0x89: {  	s3 =	sld [smem:$0x3FFE];
	_ =	sdelay $0x1  }
0x8a: {  	s1 =	srdreg.scid  }
0x8b: {  	s0 =	sand.u32 $0x1, s1  }
0x8c: {  	s17 =	sshll.u32 s0, $0xA;
	s2 =	sadd.s32 s3, s2  }
0x8d: {  	s2 =	sadd.s32 s2, s17  }
0x8e: {  	[smem:$0x3FC7] =	sst s2  }
0x8f: {  	_ = 	snop  }
0x90: {  	s2 =	sld [smem:$0x3FD0];
	(tm) =	ssettm $0x1  }
0x91: {  	s18 =	sld [smem:$0x3FFB];
	_ =	sdelay $0x3  }
0x92: {  	_ =	strace s18  }
0x93: {  	s3 =	sld [smem:$0x3FFC];
	_ =	sdelay $0x3  }
0x94: {  	_ =	strace s3  }
0x95: {  	s3 =	sld [smem:$0x3FFD];
	_ =	sdelay $0x3  }
0x96: {  	_ =	strace s3  }
0x97: {  	_ =	strace $0x8FFFFFFF  }
0x98: {  	s19 =	sld [smem:$0x3FDB];
	_ =	sdelay $0x1  }
0x99: {  	s4 =	simm.s32 $_scs_section_size  }
0x9a: {  	s5 =	simm.s32 $_size__tile_overlayer_lowered;
	s6 =	simm.s32 $_tile_overlayer_lowered  }
0x9b: {  	s22 =	simm.s32 $0x1BFF;
	s21 =	sshll.u32 s6, $0x1;
	s3 =	sadd.s32 s4, s19  }
0x9c: {  	s7 =	simm.s32 $0x0;
	s20 =	sshll.u32 s5, $0x1;
	s5 =	sadd.s32 s21, s3  }
0x9d: {  	[timem:s7], [sflag:s22] =	dma.local [hbm:s5], s20  }
0x9e: {  	_ =	swait.ge [sflag:s22], s20  }
0x9f: {  	s4 =	ssub.s32 $0x0, s20;
	[sflag:s22] =	ssyncset.done $0x0  }
0xa0: {  	[sflag:s22] =	ssyncadd.s32 s4;
	_ =	sdelay $0x1  }
0xa1: {  	s23 =	simm.s32 $0x1B8B  }
0xa2: {  	_ =	swait.ge [sflag:s23], $0x1  }
0xa3: {  	[sflag:s23] =	ssyncset.done $0x0  }
0xa4: {  	s25 =	simm.s32 $0x1B8E;
	s24 =	sld [smem:$0x3FFE];
	[sflag:s23] =	ssyncadd.s32 $0xFFFFFFFF  }
0xa5: {  	s26 =	simm.s32 $execute0_lowered;
	[smem:$0x3FD2] =	sst s25  }
0xa6: {  	s5 =	sshll.u32 s26, $0x1;
	_ =	strace $0x80000046;
	[dreg:$0x1] =	wrdreg $0xFFFFFFFF  }
0xa7: {  	s28 =	simm.s32 $_size_execute0_lowered;
	s3 =	sadd.s32 s3, s5;
	[dreg:$0x0] =	wrdreg $0x0  }
0xa8: {  	s5 =	sshll.u32 s28, $0x1;
	[dreg:$0x2] =	wrdreg s3  }
0xa9: {  	[dreg:$0x3] =	wrdreg s5  }
0xaa: {  	[dreg:$0x4] =	wrdreg $0xC0  }
0xab: {  	_ =	task [dreg:s7], $0x5FFFF  }
0xac: {  	[dreg:$0x1] =	wrdreg $0xFFFFFFFF  }
0xad: {  	[dreg:$0x0] =	wrdreg $0x60  }
0xae: {  	[dreg:$0x2] =	wrdreg s24  }
0xaf: {  	[dreg:$0x3] =	wrdreg s2  }
0xb0: {  	[dreg:$0x4] =	wrdreg $0x9  }
0xb1: {  	_ =	task.clear_ibuf [dreg:s7], $0x5FFFF;
	_ =	strace $0x90000046  }
0xb2: {  	s29 =	simm.s32 $0x9;
	_ =	strace $0x80000048  }
0xb3: {  	_ =	swait.ge [sflag:s29], $0x1  }
0xb4: {  	[sflag:s29] =	ssyncadd.s32 $0xFFFFFFFF  }
0xb5: {  	_ =	strace $0x90000048  }
0xb6: {  	_ =	sfence  }
0xb7: {  	s30 =	sld [smem:$0x0];
	_ =	sdelay $0x2  }
0xb8: {  	s31 =	sshll.u32 s1, $0xD;
	s1 =	sshrl.u32 s1, $0x2  }
0xb9: {  	s3 =	sand.u32 $0x4000, s31;
	s1 =	sadd.s32 s1, s30  }
0xba: {  	s0 =	sor.u32 s3, s0;
	s1 =	sshll.u32 s1, $0x11  }
0xbb: {  	s0 =	sor.u32 s1, s0  }
0xbc: {  	s0 =	sadd.s32 $0x8F2B, s0  }
0xbd: {  	[sflag:s0] =	ssyncadd.remote.s32 $0x1  }
0xbe: {  	_ =	sfence.sel $0xFFFF  }
0xbf: {  	[dreg:$0x0] =	wrdreg $0xFFFFFFFF;
	(pc) =	sbr.abs _section_cstart, $3  }
0xc0: {  	[dreg:$0x1] =	wrdreg $0xFFFFFFFF  }
0xc1: {  	_ =	task.clear_ibuf [dreg:s7], $0x2FFFF;
	_ =	strace $0x9FFFFFFF  }
0xc2: {  	(tm) =	ssettm $0x7FFFFFFF  }
0xc3: {  	_ =	shalt  }
tec
execute0_lowered:
.L_overlay_start_1:
0x0: {  	(tag) =	ssettag $0x1  }
0x1: {  	s3 =	rddreg [dreg:$0x0]  }
0x2: {  	s5 =	rddreg [dreg:$0x1]  }
0x3: {  	s0 =	rddreg [dreg:$0x2];
	s4 =	srdreg.scid  }
0x4: {  	s2 =	simm.s32 $0x0;
	s1 =	stileid.u32;
	s13 =	simm.s32 $0xF800  }
0x5: {  	s14 =	simm.s32 $0x2;
	s15 =	simm.s32 $0x3;
	s16 =	simm.s32 $0x0  }
0x6: {  	s6 =	sand.u32 $0x1, s4;
	[smem:$0x7FF] =	sst s2;
	s24 =	sshll.u32 s1, $0x3  }
0x7: {  	s8 =	sadd.s32 $0x600, s3;
	s12 =	sshll.u32 s1, $0xF;
	s7 =	sshll.u32 s6, $0x2  }
0x8: {  	_ =	strace $0x80000047;
	s26 =	ssub.s32 $0x2, s6;
	s25 =	sor.u32 s7, s24  }
0x9: {  	s30 =	sadd.s32 s12, s5;
	s7 =	smul.u32 $0x1F00, s25;
	s9 =	sor.u32 $0x1, s25  }
0xa: {  	s31 =	sshll.u32 s6, $0xE;
	s11 =	sor.u32 $0x2, s25;
	s9 =	smul.u32 $0x1F00, s9  }
0xb: {  	s10 =	sshrl.u32 s26, $0x1;
	s28 =	sor.u32 $0x3, s25;
	s11 =	smul.u32 $0x1F00, s11  }
0xc: {  	s12 =	simm.s32 $0x1;
	s10 =	ssub.s32 s26, s10;
	s29 =	smul.u32 $0x1F00, s28  }
0xd: {  	s3 =	sadd.s32 s8, s7;
	s7 =	sadd.s32 s31, s30;
	s4 =	sadd.s32 s8, s9  }
0xe: {  	s5 =	sadd.s32 s8, s11;
	s6 =	sadd.s32 s8, s29;
	s8 =	smax.u32 s10, $0x1  }
0xf: {  	s9 =	sadd.s32 $0x1000, s7;
	s10 =	sadd.s32 $0x2000, s7;
	s11 =	sadd.s32 $0x3000, s7  }
.LBB2_1:
0x10: {  	[tilespmem:s2], [sflag:$0x1] =	stream.linear.gather [hbm4b:s3+s2], $0xF800, $0x38;
	[tilespmem:$0x1F000] =	vst v63  }
0x11: {  	_ =	swait.ge [sflag:s12], $0xF800  }
0x12: {  	[sflag:s12] =	ssyncset.done $0x0  }
0x13: {  	s18 =	sadd.s32 $0x0, s7;
	s17 =	simm.s32 $0x3C00;
	[sflag:s12] =	ssyncadd.s32 $0xFFFF0800  }
0x14: {  	[hbm4b:s18+s2] =	stream.linear.scatter [tilespmem:s17], [sflag:$0x2], $0x4000, $0x38;
	[tilespmem:$0x1F000] =	vst v63  }
0x15: {  	s17 =	simm.s32 $0xB800;
	s18 =	sadd.s32 $0x800, s18  }
0x16: {  	[hbm4b:s18+s2] =	stream.linear.scatter [tilespmem:s17], [sflag:$0x2], $0x4000, $0x38;
	[tilespmem:$0x1F000] =	vst v63  }
0x17: {  	s18 =	simm.s32 $0x80000  }
.LBB2_2:
0x18: {  	p0 =	sne.s32 s18, $0x780000  }
.Ltmp0:
0x19: {  	s19 =	sadd.s32 s18, s7;
	s17 =	sadd.s32 $0xFFFFFC00, s17;
	(pc) =	sbr.rel @p0 .LBB2_2-.Ltmp0, $4  }
0x1a: {  	s18 =	sadd.s32 $0x80000, s18;
	s20 =	sadd.s32 $0xFFFF8400, s17  }
0x1b: {  	[hbm4b:s19+s2] =	stream.linear.scatter [tilespmem:s20], [sflag:$0x2], $0x4000, $0x38;
	[tilespmem:$0x1F000] =	vst v63  }
0x1c: {  	s19 =	sadd.s32 $0x800, s19  }
0x1d: {  	[hbm4b:s19+s2] =	stream.linear.scatter [tilespmem:s17], [sflag:$0x2], $0x4000, $0x38;
	[tilespmem:$0x1F000] =	vst v63  }
0x1e: {  	s17 =	simm.s32 $0x0  }
0x1f: {  	[tilespmem:s13], [sflag:$0x1] =	stream.linear.gather [hbm4b:s4+s17], $0xF800, $0x38;
	[tilespmem:$0x1F000] =	vst v63  }
0x20: {  	_ =	swait.ge [sflag:s12], $0xF800  }
0x21: {  	[sflag:s12] =	ssyncset.done $0x0  }
0x22: {  	s18 =	sadd.s32 $0x0, s9;
	s31 =	simm.s32 $0x13400;
	[sflag:s12] =	ssyncadd.s32 $0xFFFF0800  }
0x23: {  	[hbm4b:s18+s2] =	stream.linear.scatter [tilespmem:s31], [sflag:$0x3], $0x4000, $0x38;
	[tilespmem:$0x1F000] =	vst v63  }
0x24: {  	s17 =	simm.s32 $0x1B000;
	s18 =	sadd.s32 $0x800, s18  }
0x25: {  	[hbm4b:s18+s2] =	stream.linear.scatter [tilespmem:s17], [sflag:$0x3], $0x4000, $0x38;
	[tilespmem:$0x1F000] =	vst v63  }
0x26: {  	s18 =	simm.s32 $0x80000  }
.LBB2_4:
0x27: {  	p0 =	sne.s32 s18, $0x780000  }
.Ltmp1:
0x28: {  	s19 =	sadd.s32 s18, s9;
	s17 =	sadd.s32 $0xFFFFFC00, s17;
	(pc) =	sbr.rel @p0 .LBB2_4-.Ltmp1, $4  }
0x29: {  	s18 =	sadd.s32 $0x80000, s18;
	s20 =	sadd.s32 $0xFFFF8400, s17  }
0x2a: {  	[hbm4b:s19+s2] =	stream.linear.scatter [tilespmem:s20], [sflag:$0x3], $0x4000, $0x38;
	[tilespmem:$0x1F000] =	vst v63  }
0x2b: {  	s19 =	sadd.s32 $0x800, s19  }
0x2c: {  	[hbm4b:s19+s2] =	stream.linear.scatter [tilespmem:s17], [sflag:$0x3], $0x4000, $0x38;
	[tilespmem:$0x1F000] =	vst v63  }
0x2d: {  	_ =	swait.ge [sflag:s14], $0x8000  }
0x2e: {  	[sflag:s14] =	ssyncset.done $0x0  }
0x2f: {  	[sflag:s14] =	ssyncadd.s32 $0xFFFF8000  }
0x30: {  	_ =	swait.ge [sflag:s14], $0x8000  }
0x31: {  	[sflag:s14] =	ssyncset.done $0x0  }
0x32: {  	[sflag:s14] =	ssyncadd.s32 $0xFFFF8000  }
0x33: {  	_ =	swait.ge [sflag:s14], $0x8000  }
0x34: {  	[sflag:s14] =	ssyncset.done $0x0  }
0x35: {  	[sflag:s14] =	ssyncadd.s32 $0xFFFF8000  }
0x36: {  	_ =	swait.ge [sflag:s14], $0x8000  }
0x37: {  	[sflag:s14] =	ssyncset.done $0x0  }
0x38: {  	[sflag:s14] =	ssyncadd.s32 $0xFFFF8000  }
0x39: {  	_ =	swait.ge [sflag:s14], $0x8000  }
0x3a: {  	[sflag:s14] =	ssyncset.done $0x0  }
0x3b: {  	[sflag:s14] =	ssyncadd.s32 $0xFFFF8000  }
0x3c: {  	_ =	swait.ge [sflag:s14], $0x8000  }
0x3d: {  	[sflag:s14] =	ssyncset.done $0x0  }
0x3e: {  	[sflag:s14] =	ssyncadd.s32 $0xFFFF8000  }
0x3f: {  	_ =	swait.ge [sflag:s14], $0x8000  }
0x40: {  	[sflag:s14] =	ssyncset.done $0x0  }
0x41: {  	[sflag:s14] =	ssyncadd.s32 $0xFFFF8000  }
0x42: {  	_ =	swait.ge [sflag:s14], $0x8000  }
0x43: {  	[sflag:s14] =	ssyncset.done $0x0  }
0x44: {  	[sflag:s14] =	ssyncadd.s32 $0xFFFF8000  }
0x45: {  	_ =	swait.ge [sflag:s14], $0x8000  }
0x46: {  	[sflag:s14] =	ssyncset.done $0x0  }
0x47: {  	[sflag:s14] =	ssyncadd.s32 $0xFFFF8000  }
0x48: {  	_ =	swait.ge [sflag:s14], $0x8000  }
0x49: {  	[sflag:s14] =	ssyncset.done $0x0  }
0x4a: {  	[sflag:s14] =	ssyncadd.s32 $0xFFFF8000  }
0x4b: {  	_ =	swait.ge [sflag:s14], $0x8000  }
0x4c: {  	[sflag:s14] =	ssyncset.done $0x0  }
0x4d: {  	[sflag:s14] =	ssyncadd.s32 $0xFFFF8000  }
0x4e: {  	_ =	swait.ge [sflag:s14], $0x8000  }
0x4f: {  	[sflag:s14] =	ssyncset.done $0x0  }
0x50: {  	[sflag:s14] =	ssyncadd.s32 $0xFFFF8000  }
0x51: {  	_ =	swait.ge [sflag:s14], $0x8000  }
0x52: {  	[sflag:s14] =	ssyncset.done $0x0  }
0x53: {  	[sflag:s14] =	ssyncadd.s32 $0xFFFF8000  }
0x54: {  	_ =	swait.ge [sflag:s14], $0x8000  }
0x55: {  	[sflag:s14] =	ssyncset.done $0x0  }
0x56: {  	[sflag:s14] =	ssyncadd.s32 $0xFFFF8000  }
0x57: {  	_ =	swait.ge [sflag:s14], $0x8000  }
0x58: {  	[sflag:s14] =	ssyncset.done $0x0  }
0x59: {  	[sflag:s14] =	ssyncadd.s32 $0xFFFF8000  }
0x5a: {  	_ =	swait.ge [sflag:s14], $0x8000  }
0x5b: {  	[sflag:s14] =	ssyncset.done $0x0  }
0x5c: {  	s17 =	simm.s32 $0x0;
	[sflag:s14] =	ssyncadd.s32 $0xFFFF8000  }
0x5d: {  	[tilespmem:s17], [sflag:$0x1] =	stream.linear.gather [hbm4b:s5+s17], $0xF800, $0x38;
	[tilespmem:$0x1F000] =	vst v63  }
0x5e: {  	_ =	swait.ge [sflag:s12], $0xF800  }
0x5f: {  	[sflag:s12] =	ssyncset.done $0x0  }
0x60: {  	s18 =	sadd.s32 $0x0, s10;
	s31 =	simm.s32 $0x3C00;
	[sflag:s12] =	ssyncadd.s32 $0xFFFF0800  }
0x61: {  	[hbm4b:s18+s2] =	stream.linear.scatter [tilespmem:s31], [sflag:$0x2], $0x4000, $0x38;
	[tilespmem:$0x1F000] =	vst v63  }
0x62: {  	s17 =	simm.s32 $0xB800;
	s18 =	sadd.s32 $0x800, s18  }
0x63: {  	[hbm4b:s18+s2] =	stream.linear.scatter [tilespmem:s17], [sflag:$0x2], $0x4000, $0x38;
	[tilespmem:$0x1F000] =	vst v63  }
0x64: {  	s18 =	simm.s32 $0x80000  }
.LBB2_6:
0x65: {  	p0 =	sne.s32 s18, $0x780000  }
.Ltmp2:
0x66: {  	s19 =	sadd.s32 s18, s10;
	s17 =	sadd.s32 $0xFFFFFC00, s17;
	(pc) =	sbr.rel @p0 .LBB2_6-.Ltmp2, $4  }
0x67: {  	s18 =	sadd.s32 $0x80000, s18;
	s20 =	sadd.s32 $0xFFFF8400, s17  }
0x68: {  	[hbm4b:s19+s2] =	stream.linear.scatter [tilespmem:s20], [sflag:$0x2], $0x4000, $0x38;
	[tilespmem:$0x1F000] =	vst v63  }
0x69: {  	s19 =	sadd.s32 $0x800, s19  }
0x6a: {  	[hbm4b:s19+s2] =	stream.linear.scatter [tilespmem:s17], [sflag:$0x2], $0x4000, $0x38;
	[tilespmem:$0x1F000] =	vst v63  }
0x6b: {  	_ =	swait.ge [sflag:s15], $0x8000  }
0x6c: {  	[sflag:s15] =	ssyncset.done $0x0  }
0x6d: {  	[sflag:s15] =	ssyncadd.s32 $0xFFFF8000  }
0x6e: {  	_ =	swait.ge [sflag:s15], $0x8000  }
0x6f: {  	[sflag:s15] =	ssyncset.done $0x0  }
0x70: {  	[sflag:s15] =	ssyncadd.s32 $0xFFFF8000  }
0x71: {  	_ =	swait.ge [sflag:s15], $0x8000  }
0x72: {  	[sflag:s15] =	ssyncset.done $0x0  }
0x73: {  	[sflag:s15] =	ssyncadd.s32 $0xFFFF8000  }
0x74: {  	_ =	swait.ge [sflag:s15], $0x8000  }
0x75: {  	[sflag:s15] =	ssyncset.done $0x0  }
0x76: {  	[sflag:s15] =	ssyncadd.s32 $0xFFFF8000  }
0x77: {  	_ =	swait.ge [sflag:s15], $0x8000  }
0x78: {  	[sflag:s15] =	ssyncset.done $0x0  }
0x79: {  	[sflag:s15] =	ssyncadd.s32 $0xFFFF8000  }
0x7a: {  	_ =	swait.ge [sflag:s15], $0x8000  }
0x7b: {  	[sflag:s15] =	ssyncset.done $0x0  }
0x7c: {  	[sflag:s15] =	ssyncadd.s32 $0xFFFF8000  }
0x7d: {  	_ =	swait.ge [sflag:s15], $0x8000  }
0x7e: {  	[sflag:s15] =	ssyncset.done $0x0  }
0x7f: {  	[sflag:s15] =	ssyncadd.s32 $0xFFFF8000  }
0x80: {  	_ =	swait.ge [sflag:s15], $0x8000  }
0x81: {  	[sflag:s15] =	ssyncset.done $0x0  }
0x82: {  	[sflag:s15] =	ssyncadd.s32 $0xFFFF8000  }
0x83: {  	_ =	swait.ge [sflag:s15], $0x8000  }
0x84: {  	[sflag:s15] =	ssyncset.done $0x0  }
0x85: {  	[sflag:s15] =	ssyncadd.s32 $0xFFFF8000  }
0x86: {  	_ =	swait.ge [sflag:s15], $0x8000  }
0x87: {  	[sflag:s15] =	ssyncset.done $0x0  }
0x88: {  	[sflag:s15] =	ssyncadd.s32 $0xFFFF8000  }
0x89: {  	_ =	swait.ge [sflag:s15], $0x8000  }
0x8a: {  	[sflag:s15] =	ssyncset.done $0x0  }
0x8b: {  	[sflag:s15] =	ssyncadd.s32 $0xFFFF8000  }
0x8c: {  	_ =	swait.ge [sflag:s15], $0x8000  }
0x8d: {  	[sflag:s15] =	ssyncset.done $0x0  }
0x8e: {  	[sflag:s15] =	ssyncadd.s32 $0xFFFF8000  }
0x8f: {  	_ =	swait.ge [sflag:s15], $0x8000  }
0x90: {  	[sflag:s15] =	ssyncset.done $0x0  }
0x91: {  	[sflag:s15] =	ssyncadd.s32 $0xFFFF8000  }
0x92: {  	_ =	swait.ge [sflag:s15], $0x8000  }
0x93: {  	[sflag:s15] =	ssyncset.done $0x0  }
0x94: {  	[sflag:s15] =	ssyncadd.s32 $0xFFFF8000  }
0x95: {  	_ =	swait.ge [sflag:s15], $0x8000  }
0x96: {  	[sflag:s15] =	ssyncset.done $0x0  }
0x97: {  	[sflag:s15] =	ssyncadd.s32 $0xFFFF8000  }
0x98: {  	_ =	swait.ge [sflag:s15], $0x8000  }
0x99: {  	[sflag:s15] =	ssyncset.done $0x0  }
0x9a: {  	s17 =	simm.s32 $0x0;
	[sflag:s15] =	ssyncadd.s32 $0xFFFF8000  }
0x9b: {  	[tilespmem:s13], [sflag:$0x1] =	stream.linear.gather [hbm4b:s6+s17], $0xF800, $0x38;
	[tilespmem:$0x1F000] =	vst v63  }
0x9c: {  	_ =	swait.ge [sflag:s12], $0xF800  }
0x9d: {  	[sflag:s12] =	ssyncset.done $0x0  }
0x9e: {  	s18 =	sadd.s32 $0x0, s11;
	s31 =	simm.s32 $0x13400;
	[sflag:s12] =	ssyncadd.s32 $0xFFFF0800  }
0x9f: {  	[hbm4b:s18+s2] =	stream.linear.scatter [tilespmem:s31], [sflag:$0x3], $0x4000, $0x38;
	[tilespmem:$0x1F000] =	vst v63  }
0xa0: {  	s17 =	simm.s32 $0x1B000;
	s18 =	sadd.s32 $0x800, s18  }
0xa1: {  	[hbm4b:s18+s2] =	stream.linear.scatter [tilespmem:s17], [sflag:$0x3], $0x4000, $0x38;
	[tilespmem:$0x1F000] =	vst v63  }
0xa2: {  	s18 =	simm.s32 $0x80000  }
.LBB2_8:
0xa3: {  	p0 =	sne.s32 s18, $0x780000  }
.Ltmp3:
0xa4: {  	s19 =	sadd.s32 s18, s11;
	s17 =	sadd.s32 $0xFFFFFC00, s17;
	(pc) =	sbr.rel @p0 .LBB2_8-.Ltmp3, $4  }
0xa5: {  	s18 =	sadd.s32 $0x80000, s18;
	s20 =	sadd.s32 $0xFFFF8400, s17  }
0xa6: {  	[hbm4b:s19+s2] =	stream.linear.scatter [tilespmem:s20], [sflag:$0x3], $0x4000, $0x38;
	[tilespmem:$0x1F000] =	vst v63  }
0xa7: {  	s19 =	sadd.s32 $0x800, s19  }
0xa8: {  	[hbm4b:s19+s2] =	stream.linear.scatter [tilespmem:s17], [sflag:$0x3], $0x4000, $0x38;
	[tilespmem:$0x1F000] =	vst v63  }
0xa9: {  	_ =	swait.ge [sflag:s14], $0x8000  }
0xaa: {  	[sflag:s14] =	ssyncset.done $0x0  }
0xab: {  	[sflag:s14] =	ssyncadd.s32 $0xFFFF8000  }
0xac: {  	_ =	swait.ge [sflag:s14], $0x8000  }
0xad: {  	[sflag:s14] =	ssyncset.done $0x0  }
0xae: {  	[sflag:s14] =	ssyncadd.s32 $0xFFFF8000  }
0xaf: {  	_ =	swait.ge [sflag:s14], $0x8000  }
0xb0: {  	[sflag:s14] =	ssyncset.done $0x0  }
0xb1: {  	[sflag:s14] =	ssyncadd.s32 $0xFFFF8000  }
0xb2: {  	_ =	swait.ge [sflag:s14], $0x8000  }
0xb3: {  	[sflag:s14] =	ssyncset.done $0x0  }
0xb4: {  	[sflag:s14] =	ssyncadd.s32 $0xFFFF8000  }
0xb5: {  	_ =	swait.ge [sflag:s14], $0x8000  }
0xb6: {  	[sflag:s14] =	ssyncset.done $0x0  }
0xb7: {  	[sflag:s14] =	ssyncadd.s32 $0xFFFF8000  }
0xb8: {  	_ =	swait.ge [sflag:s14], $0x8000  }
0xb9: {  	[sflag:s14] =	ssyncset.done $0x0  }
0xba: {  	[sflag:s14] =	ssyncadd.s32 $0xFFFF8000  }
0xbb: {  	_ =	swait.ge [sflag:s14], $0x8000  }
0xbc: {  	[sflag:s14] =	ssyncset.done $0x0  }
0xbd: {  	[sflag:s14] =	ssyncadd.s32 $0xFFFF8000  }
0xbe: {  	_ =	swait.ge [sflag:s14], $0x8000  }
0xbf: {  	[sflag:s14] =	ssyncset.done $0x0  }
0xc0: {  	[sflag:s14] =	ssyncadd.s32 $0xFFFF8000  }
0xc1: {  	_ =	swait.ge [sflag:s14], $0x8000  }
0xc2: {  	[sflag:s14] =	ssyncset.done $0x0  }
0xc3: {  	[sflag:s14] =	ssyncadd.s32 $0xFFFF8000  }
0xc4: {  	_ =	swait.ge [sflag:s14], $0x8000  }
0xc5: {  	[sflag:s14] =	ssyncset.done $0x0  }
0xc6: {  	[sflag:s14] =	ssyncadd.s32 $0xFFFF8000  }
0xc7: {  	_ =	swait.ge [sflag:s14], $0x8000  }
0xc8: {  	[sflag:s14] =	ssyncset.done $0x0  }
0xc9: {  	[sflag:s14] =	ssyncadd.s32 $0xFFFF8000  }
0xca: {  	_ =	swait.ge [sflag:s14], $0x8000  }
0xcb: {  	[sflag:s14] =	ssyncset.done $0x0  }
0xcc: {  	[sflag:s14] =	ssyncadd.s32 $0xFFFF8000  }
0xcd: {  	_ =	swait.ge [sflag:s14], $0x8000  }
0xce: {  	[sflag:s14] =	ssyncset.done $0x0  }
0xcf: {  	[sflag:s14] =	ssyncadd.s32 $0xFFFF8000  }
0xd0: {  	_ =	swait.ge [sflag:s14], $0x8000  }
0xd1: {  	[sflag:s14] =	ssyncset.done $0x0  }
0xd2: {  	[sflag:s14] =	ssyncadd.s32 $0xFFFF8000  }
0xd3: {  	_ =	swait.ge [sflag:s14], $0x8000  }
0xd4: {  	[sflag:s14] =	ssyncset.done $0x0  }
0xd5: {  	[sflag:s14] =	ssyncadd.s32 $0xFFFF8000  }
0xd6: {  	_ =	swait.ge [sflag:s14], $0x8000  }
0xd7: {  	[sflag:s14] =	ssyncset.done $0x0  }
0xd8: {  	[sflag:s14] =	ssyncadd.s32 $0xFFFF8000  }
0xd9: {  	_ =	swait.ge [sflag:s15], $0x8000  }
0xda: {  	[sflag:s15] =	ssyncset.done $0x0  }
0xdb: {  	[sflag:s15] =	ssyncadd.s32 $0xFFFF8000  }
0xdc: {  	_ =	swait.ge [sflag:s15], $0x8000  }
0xdd: {  	[sflag:s15] =	ssyncset.done $0x0  }
0xde: {  	[sflag:s15] =	ssyncadd.s32 $0xFFFF8000  }
0xdf: {  	_ =	swait.ge [sflag:s15], $0x8000  }
0xe0: {  	[sflag:s15] =	ssyncset.done $0x0  }
0xe1: {  	[sflag:s15] =	ssyncadd.s32 $0xFFFF8000  }
0xe2: {  	_ =	swait.ge [sflag:s15], $0x8000  }
0xe3: {  	[sflag:s15] =	ssyncset.done $0x0  }
0xe4: {  	[sflag:s15] =	ssyncadd.s32 $0xFFFF8000  }
0xe5: {  	_ =	swait.ge [sflag:s15], $0x8000  }
0xe6: {  	[sflag:s15] =	ssyncset.done $0x0  }
0xe7: {  	[sflag:s15] =	ssyncadd.s32 $0xFFFF8000  }
0xe8: {  	_ =	swait.ge [sflag:s15], $0x8000  }
0xe9: {  	[sflag:s15] =	ssyncset.done $0x0  }
0xea: {  	[sflag:s15] =	ssyncadd.s32 $0xFFFF8000  }
0xeb: {  	_ =	swait.ge [sflag:s15], $0x8000  }
0xec: {  	[sflag:s15] =	ssyncset.done $0x0  }
0xed: {  	[sflag:s15] =	ssyncadd.s32 $0xFFFF8000  }
0xee: {  	_ =	swait.ge [sflag:s15], $0x8000  }
0xef: {  	[sflag:s15] =	ssyncset.done $0x0  }
0xf0: {  	[sflag:s15] =	ssyncadd.s32 $0xFFFF8000  }
0xf1: {  	_ =	swait.ge [sflag:s15], $0x8000  }
0xf2: {  	[sflag:s15] =	ssyncset.done $0x0  }
0xf3: {  	[sflag:s15] =	ssyncadd.s32 $0xFFFF8000  }
0xf4: {  	_ =	swait.ge [sflag:s15], $0x8000  }
0xf5: {  	[sflag:s15] =	ssyncset.done $0x0  }
0xf6: {  	[sflag:s15] =	ssyncadd.s32 $0xFFFF8000  }
0xf7: {  	_ =	swait.ge [sflag:s15], $0x8000  }
0xf8: {  	[sflag:s15] =	ssyncset.done $0x0  }
0xf9: {  	[sflag:s15] =	ssyncadd.s32 $0xFFFF8000  }
0xfa: {  	_ =	swait.ge [sflag:s15], $0x8000  }
0xfb: {  	[sflag:s15] =	ssyncset.done $0x0  }
0xfc: {  	[sflag:s15] =	ssyncadd.s32 $0xFFFF8000  }
0xfd: {  	_ =	swait.ge [sflag:s15], $0x8000  }
0xfe: {  	[sflag:s15] =	ssyncset.done $0x0  }
0xff: {  	[sflag:s15] =	ssyncadd.s32 $0xFFFF8000  }
0x100: {  	_ =	swait.ge [sflag:s15], $0x8000  }
0x101: {  	[sflag:s15] =	ssyncset.done $0x0  }
0x102: {  	s16 =	sadd.s32 $0x1, s16;
	[sflag:s15] =	ssyncadd.s32 $0xFFFF8000  }
0x103: {  	p0 =	sne.s32 s16, s8;
	_ =	swait.ge [sflag:s15], $0x8000  }
.Ltmp4:
0x104: {  	[sflag:s15] =	ssyncset.done $0x0;
	(pc) =	sbr.rel @p0 .LBB2_1-.Ltmp4, $4  }
0x105: {  	[sflag:s15] =	ssyncadd.s32 $0xFFFF8000  }
0x106: {  	_ =	swait.ge [sflag:s15], $0x8000  }
0x107: {  	[sflag:s15] =	ssyncset.done $0x0  }
0x108: {  	[sflag:s15] =	ssyncadd.s32 $0xFFFF8000  }
0x109: {  	_ =	sfence.sel $0x180000  }
0x10a: {  	[bflag:$0x0] =	sbarrier.arrive $0xFFFF  }
0x10b: {  	p0 =	sne.s32 s1, $0x0;
	_ =	strace $0x90000047  }
0x10c: {  	s0 =	sadd.s32 @!p0 $0x100000, s0;
	[bflag:$0x2] =	sbarrier.arrive $0xFFFF  }
0x10d: {  	[sflag:s0] =	ssyncadd.tile.s32 @!p0 $0x1;
	_ =	shalt  }
.Lfunc_end2:
_tile_overlayer_lowered:
.L_overlay_start_2:
0x10e: {  	(tag) =	ssettag $0x2  }
0x10f: {  	s0 =	rddreg [dreg:$0x0];
	s2 =	stileid.u32  }
0x110: {  	s1 =	rddreg [dreg:$0x1];
	p0 =	sne.s32 s2, $0x0  }
0x111: {  	s3 =	rddreg [dreg:$0x2];
	[bflag:$0x3] =	sbarrier.arrive $0xFFFF;
	s2 =	simm.s32 @!p0 $0x1C04  }
0x112: {  	[timem:s3], [sflag:s2] =	dma.local @!p0 [hbm:s0], s1  }
0x113: {  	s0 =	simm.s32 @!p0 $0x4  }
0x114: {  	_ =	swait.ge @!p0 [sflag:s0], s1  }
0x115: {  	s1 =	ssub.s32 @!p0 $0x0, s1;
	[sflag:s0] =	ssyncset.done @!p0 $0x0  }
0x116: {  	[sflag:s0] =	ssyncadd.s32 @!p0 s1  }
0x117: {  	[bflag:$0x3] =	sbarrier.arrive $0xFFFF  }
0x118: {  	_ =	shalt  }

</sc_bundles>
